<compile_context>
chip_gen: v7x
topology: tpu7x:2x2x1
jax: 0.10.2.dev20260603
libtpu: 0.0.44.dev20260713+nightly
codegen_flags: <defaults>
</compile_context>

<pallas_src>
import functools

import jax
import jax.numpy as jnp
from jax import lax
from jax.experimental import pallas as pl
from jax.experimental.pallas import tpu as pltpu
from jax.experimental.pallas import tpu_sc as plsc

N = 100000
NUM_WORKERS = 32
PER_W = 3128
LAST_BASE = N - PER_W
C = 128
NFULL = PER_W // C
TAIL = PER_W - NFULL * C
K = 3
NSET = 2 * K
NPOS = NFULL // NSET
DIMS = (16, 32, 32, 48)
COLS = (0, 16, 48, 80)
DOUT = 128

_mesh = plsc.VectorSubcoreMesh(core_axis_name="c", subcore_axis_name="s")

_scratch = [pltpu.VMEM((4, PER_W), jnp.int32)]
for _k in range(NSET):
    _scratch.extend(pltpu.VMEM((C, d), jnp.float32) for d in DIMS)
_scratch.extend(pltpu.VMEM((TAIL, d), jnp.float32) for d in DIMS)
_scratch.extend(pltpu.SemaphoreType.DMA for _ in range(2 * NSET + 1))


@functools.partial(
    pl.kernel,
    out_type=jax.ShapeDtypeStruct((N, DOUT), jnp.float32),
    mesh=_mesh,
    scratch_types=_scratch,
    compiler_params=pltpu.CompilerParams(use_tc_tiling_on_sc=False),
)
def _sc_lookup(idx0, idx1, idx2, idx3, t0, t1, t2, t3, out, *s):
    idxs = (idx0, idx1, idx2, idx3)
    tables = (t0, t1, t2, t3)
    iv = s[0]
    bufs = [list(s[1 + 4 * k:5 + 4 * k]) for k in range(NSET)]
    trvs = list(s[1 + 4 * NSET:5 + 4 * NSET])
    gsems = s[5 + 4 * NSET:5 + 5 * NSET]
    wsems = s[5 + 5 * NSET:5 + 6 * NSET]
    tsem = s[5 + 6 * NSET]

    wid = lax.axis_index("s") * 2 + lax.axis_index("c")
    base = jnp.minimum(wid * PER_W, LAST_BASE)

    for l in range(4):
        pltpu.sync_copy(idxs[l].at[pl.ds(base, PER_W)], iv.at[l])

    def fire(off, n, rvs, sem):
        for l in range(4):
            pltpu.async_copy(tables[l].at[iv.at[l, pl.ds(off, n)]], rvs[l], sem)

    def drain_gather(off, n, rvs, sem):
        for l in range(4):
            pltpu.make_async_copy(
                tables[l].at[iv.at[l, pl.ds(off, n)]], rvs[l], sem
            ).wait()

    def out_band(off, n, l):
        return out.at[pl.ds(base + off, n), pl.ds(COLS[l], DIMS[l])]

    def fire_writes(off, n, rvs, sem):
        for l in range(4):
            pltpu.async_copy(rvs[l], out_band(off, n, l), sem)

    def drain_writes(off, n, rvs, sem):
        for l in range(4):
            pltpu.make_async_copy(rvs[l], out_band(off, n, l), sem).wait()

    for m in range(K):
        fire(m * C, C, bufs[m], gsems[m])
    fire(NFULL * C, TAIL, trvs, tsem)

    @pl.loop(0, NPOS)
    def _(p):
        for m in range(NSET):
            jj = p * NSET + m
            off = jj * C
            drain_gather(off, C, bufs[m], gsems[m])
            fire_writes(off, C, bufs[m], wsems[m])
            m2 = (m + K) % NSET

            @pl.when(jj + K < NFULL)
            def _():
                @pl.when(jj >= K)
                def _():
                    drain_writes((jj - K) * C, C, bufs[m2], wsems[m2])

                fire((jj + K) * C, C, bufs[m2], gsems[m2])

    for jj in range(NFULL - NSET, NFULL):
        m = jj % NSET
        drain_writes(jj * C, C, bufs[m], wsems[m])

    drain_gather(NFULL * C, TAIL, trvs, tsem)
    for l in range(4):
        pltpu.sync_copy(trvs[l], out_band(NFULL * C, TAIL, l))


def kernel(code_levels, table_0, table_1, table_2, table_3):
    return _sc_lookup(
        code_levels[:, 0], code_levels[:, 1],
        code_levels[:, 2], code_levels[:, 3],
        table_0, table_1, table_2, table_3,
    )

# --- scband reference (transcript-rebuilt; emitter-appended) ---
"""Pipeline reference for scband-hierarchical-embedding-34368328303049 (READ-ONLY COPY).

The authoritative reference and input builder live on the scoring server;
editing this copy changes nothing except your own understanding.
"""

import jax, jax.numpy as jnp
import numpy as np

NUM_CODES = 100000
NUM_LEVELS = 4
LEVEL_SIZES = [128, 1024, 16384, 100000]
LEVEL_DIMS = [16, 32, 32, 48]


def setup_inputs(seed: int = 0) -> dict:
    key = jax.random.key(seed)
    keys = jax.random.split(key, 2 * NUM_LEVELS)
    # code_levels[:, i] indexes into level-i embedding table; each column
    # is drawn in-range for its own level vocabulary.
    cols = [
        jax.random.randint(keys[i], (NUM_CODES,), 0, LEVEL_SIZES[i], dtype=jnp.int32)
        for i in range(NUM_LEVELS)
    ]
    code_levels = jnp.stack(cols, axis=1)
    inp = {"code_levels": code_levels}
    for i in range(NUM_LEVELS):
        inp[f"table_{i}"] = (
            jax.random.normal(keys[NUM_LEVELS + i], (LEVEL_SIZES[i], LEVEL_DIMS[i]), dtype=jnp.float32)
            * 0.02
        )
    return inp


def reference(code_levels, table_0, table_1, table_2, table_3):
    tables = [table_0, table_1, table_2, table_3]
    level_embs = []
    for level_idx, table in enumerate(tables):
        indices = code_levels[:, level_idx]
        level_embs.append(jnp.take(table, indices, axis=0))
    return jnp.concatenate(level_embs, axis=-1)

if __name__ == "__main__":
    import jax
    _d = setup_inputs()
    print(jax.jit(kernel)(*tuple(_d.values())))

</pallas_src>

<mosaic_0001>
#map = affine_map<(d0, d1) -> (0)>
#map1 = affine_map<(d0, d1) -> (0, 0)>
module attributes {stable_mosaic.version = 14 : i64} {
  func.func @_sc_lookup(%arg0: i32, %arg1: i32, %arg2: memref<100000xi32, #tpu.memory_space<hbm>>, %arg3: memref<100000xi32, #tpu.memory_space<hbm>>, %arg4: memref<100000xi32, #tpu.memory_space<hbm>>, %arg5: memref<100000xi32, #tpu.memory_space<hbm>>, %arg6: memref<128x16xf32, #tpu.memory_space<hbm>>, %arg7: memref<1024x32xf32, #tpu.memory_space<hbm>>, %arg8: memref<16384x32xf32, #tpu.memory_space<hbm>>, %arg9: memref<100000x48xf32, #tpu.memory_space<hbm>>, %arg10: memref<100000x128xf32, #tpu.memory_space<hbm>>, %arg11: memref<4x3128xi32, #tpu.memory_space<vmem>>, %arg12: memref<128x16xf32, #tpu.memory_space<vmem>>, %arg13: memref<128x32xf32, #tpu.memory_space<vmem>>, %arg14: memref<128x32xf32, #tpu.memory_space<vmem>>, %arg15: memref<128x48xf32, #tpu.memory_space<vmem>>, %arg16: memref<128x16xf32, #tpu.memory_space<vmem>>, %arg17: memref<128x32xf32, #tpu.memory_space<vmem>>, %arg18: memref<128x32xf32, #tpu.memory_space<vmem>>, %arg19: memref<128x48xf32, #tpu.memory_space<vmem>>, %arg20: memref<128x16xf32, #tpu.memory_space<vmem>>, %arg21: memref<128x32xf32, #tpu.memory_space<vmem>>, %arg22: memref<128x32xf32, #tpu.memory_space<vmem>>, %arg23: memref<128x48xf32, #tpu.memory_space<vmem>>, %arg24: memref<128x16xf32, #tpu.memory_space<vmem>>, %arg25: memref<128x32xf32, #tpu.memory_space<vmem>>, %arg26: memref<128x32xf32, #tpu.memory_space<vmem>>, %arg27: memref<128x48xf32, #tpu.memory_space<vmem>>, %arg28: memref<128x16xf32, #tpu.memory_space<vmem>>, %arg29: memref<128x32xf32, #tpu.memory_space<vmem>>, %arg30: memref<128x32xf32, #tpu.memory_space<vmem>>, %arg31: memref<128x48xf32, #tpu.memory_space<vmem>>, %arg32: memref<128x16xf32, #tpu.memory_space<vmem>>, %arg33: memref<128x32xf32, #tpu.memory_space<vmem>>, %arg34: memref<128x32xf32, #tpu.memory_space<vmem>>, %arg35: memref<128x48xf32, #tpu.memory_space<vmem>>, %arg36: memref<56x16xf32, #tpu.memory_space<vmem>>, %arg37: memref<56x32xf32, #tpu.memory_space<vmem>>, %arg38: memref<56x32xf32, #tpu.memory_space<vmem>>, %arg39: memref<56x48xf32, #tpu.memory_space<vmem>>, %arg40: memref<!tpu.dma_semaphore, #tpu.memory_space<semaphore_mem>>, %arg41: memref<!tpu.dma_semaphore, #tpu.memory_space<semaphore_mem>>, %arg42: memref<!tpu.dma_semaphore, #tpu.memory_space<semaphore_mem>>, %arg43: memref<!tpu.dma_semaphore, #tpu.memory_space<semaphore_mem>>, %arg44: memref<!tpu.dma_semaphore, #tpu.memory_space<semaphore_mem>>, %arg45: memref<!tpu.dma_semaphore, #tpu.memory_space<semaphore_mem>>, %arg46: memref<!tpu.dma_semaphore, #tpu.memory_space<semaphore_mem>>, %arg47: memref<!tpu.dma_semaphore, #tpu.memory_space<semaphore_mem>>, %arg48: memref<!tpu.dma_semaphore, #tpu.memory_space<semaphore_mem>>, %arg49: memref<!tpu.dma_semaphore, #tpu.memory_space<semaphore_mem>>, %arg50: memref<!tpu.dma_semaphore, #tpu.memory_space<semaphore_mem>>, %arg51: memref<!tpu.dma_semaphore, #tpu.memory_space<semaphore_mem>>, %arg52: memref<!tpu.dma_semaphore, #tpu.memory_space<semaphore_mem>>) attributes {dimension_semantics = [#tpu.dimension_semantics<core_parallel>, #tpu.dimension_semantics<subcore_parallel>], iteration_bounds = array<i64: 2, 16>, scalar_prefetch = 0 : i64, scratch_operands = 42 : i64, tpu.core_type = #tpu.core_type<sc_vector_subcore>, window_params = [{transform_indices = #map}, {transform_indices = #map}, {transform_indices = #map}, {transform_indices = #map}, {transform_indices = #map1}, {transform_indices = #map1}, {transform_indices = #map1}, {transform_indices = #map1}, {transform_indices = #map1}]} {
    %mul3A = arith.constant 2 : i32
    %mul3A_0 = arith.muli %arg1, %mul3A : i32
    %add3A = arith.addi %mul3A_0, %arg0 : i32
    %mul3A_1 = arith.constant 3128 : i32
    %mul3A_2 = arith.muli %add3A, %mul3A_1 : i32
    %min3A = arith.constant 96872 : i32
    %min3A_3 = arith.minsi %mul3A_2, %min3A : i32
    %run_scoped3A = arith.constant 0 : i32
    "tpu.region"() ({
      %run_scoped3A_301 = tpu.sem_alloc : memref<!tpu.dma_semaphore, #tpu.memory_space<semaphore_mem>>
      %dma_start3A_302 = arith.constant 0 : i32
      %dma_start3A_303 = tpu.memref_slice %arg11[%run_scoped3A, %dma_start3A_302] : memref<4x3128xi32, #tpu.memory_space<vmem>> -> memref<1x3128xi32, #tpu.memory_space<vmem>>
      %dma_start3A_304 = tpu.memref_squeeze %dma_start3A_303 : memref<1x3128xi32, #tpu.memory_space<vmem>> -> memref<3128xi32, #tpu.memory_space<vmem>>
      %dma_start3A_305 = tpu.memref_slice %arg2[%min3A_3] : memref<100000xi32, #tpu.memory_space<hbm>> -> memref<3128xi32, #tpu.memory_space<hbm>>
      %dma_start3A_306 = arith.constant 0 : i32
      %dma_start3A_307 = tpu.memref_slice %arg11[%run_scoped3A, %dma_start3A_306] : memref<4x3128xi32, #tpu.memory_space<vmem>> -> memref<1x3128xi32, #tpu.memory_space<vmem>>
      %dma_start3A_308 = tpu.memref_squeeze %dma_start3A_307 : memref<1x3128xi32, #tpu.memory_space<vmem>> -> memref<3128xi32, #tpu.memory_space<vmem>>
      %dma_start3A_309 = tpu.memref_slice %arg2[%min3A_3] : memref<100000xi32, #tpu.memory_space<hbm>> -> memref<3128xi32, #tpu.memory_space<hbm>>
      tpu.enqueue_dma source(%dma_start3A_309 : memref<3128xi32, #tpu.memory_space<hbm>>) target(%dma_start3A_308 : memref<3128xi32, #tpu.memory_space<vmem>>) target_semaphore(%run_scoped3A_301 : memref<!tpu.dma_semaphore, #tpu.memory_space<semaphore_mem>>)
      %dma_wait3A_310 = arith.constant 0 : i32
      %dma_wait3A_311 = tpu.memref_slice %arg11[%run_scoped3A, %dma_wait3A_310] : memref<4x3128xi32, #tpu.memory_space<vmem>> -> memref<1x3128xi32, #tpu.memory_space<vmem>>
      %dma_wait3A_312 = tpu.memref_squeeze %dma_wait3A_311 : memref<1x3128xi32, #tpu.memory_space<vmem>> -> memref<3128xi32, #tpu.memory_space<vmem>>
      %dma_wait3A_313 = tpu.memref_slice %arg2[%min3A_3] : memref<100000xi32, #tpu.memory_space<hbm>> -> memref<3128xi32, #tpu.memory_space<hbm>>
      %dma_wait3A_314 = arith.constant 0 : i32
      %dma_wait3A_315 = tpu.memref_slice %arg11[%run_scoped3A, %dma_wait3A_314] : memref<4x3128xi32, #tpu.memory_space<vmem>> -> memref<1x3128xi32, #tpu.memory_space<vmem>>
      %dma_wait3A_316 = tpu.memref_squeeze %dma_wait3A_315 : memref<1x3128xi32, #tpu.memory_space<vmem>> -> memref<3128xi32, #tpu.memory_space<vmem>>
      %dma_wait3A_317 = tpu.memref_slice %arg2[%min3A_3] : memref<100000xi32, #tpu.memory_space<hbm>> -> memref<3128xi32, #tpu.memory_space<hbm>>
      tpu.wait_dma2 semaphore(%run_scoped3A_301 : memref<!tpu.dma_semaphore, #tpu.memory_space<semaphore_mem>>) src(%dma_wait3A_317 : memref<3128xi32, #tpu.memory_space<hbm>>) dst(%dma_wait3A_316 : memref<3128xi32, #tpu.memory_space<vmem>>)
      tpu.yield
    }) : () -> ()
    %run_scoped3A_4 = arith.constant 1 : i32
    "tpu.region"() ({
      %run_scoped3A_301 = tpu.sem_alloc : memref<!tpu.dma_semaphore, #tpu.memory_space<semaphore_mem>>
      %dma_start3A_302 = arith.constant 0 : i32
      %dma_start3A_303 = tpu.memref_slice %arg11[%run_scoped3A_4, %dma_start3A_302] : memref<4x3128xi32, #tpu.memory_space<vmem>> -> memref<1x3128xi32, #tpu.memory_space<vmem>>
      %dma_start3A_304 = tpu.memref_squeeze %dma_start3A_303 : memref<1x3128xi32, #tpu.memory_space<vmem>> -> memref<3128xi32, #tpu.memory_space<vmem>>
      %dma_start3A_305 = tpu.memref_slice %arg3[%min3A_3] : memref<100000xi32, #tpu.memory_space<hbm>> -> memref<3128xi32, #tpu.memory_space<hbm>>
      %dma_start3A_306 = arith.constant 0 : i32
      %dma_start3A_307 = tpu.memref_slice %arg11[%run_scoped3A_4, %dma_start3A_306] : memref<4x3128xi32, #tpu.memory_space<vmem>> -> memref<1x3128xi32, #tpu.memory_space<vmem>>
      %dma_start3A_308 = tpu.memref_squeeze %dma_start3A_307 : memref<1x3128xi32, #tpu.memory_space<vmem>> -> memref<3128xi32, #tpu.memory_space<vmem>>
      %dma_start3A_309 = tpu.memref_slice %arg3[%min3A_3] : memref<100000xi32, #tpu.memory_space<hbm>> -> memref<3128xi32, #tpu.memory_space<hbm>>
      tpu.enqueue_dma source(%dma_start3A_309 : memref<3128xi32, #tpu.memory_space<hbm>>) target(%dma_start3A_308 : memref<3128xi32, #tpu.memory_space<vmem>>) target_semaphore(%run_scoped3A_301 : memref<!tpu.dma_semaphore, #tpu.memory_space<semaphore_mem>>)
      %dma_wait3A_310 = arith.constant 0 : i32
      %dma_wait3A_311 = tpu.memref_slice %arg11[%run_scoped3A_4, %dma_wait3A_310] : memref<4x3128xi32, #tpu.memory_space<vmem>> -> memref<1x3128xi32, #tpu.memory_space<vmem>>
      %dma_wait3A_312 = tpu.memref_squeeze %dma_wait3A_311 : memref<1x3128xi32, #tpu.memory_space<vmem>> -> memref<3128xi32, #tpu.memory_space<vmem>>
      %dma_wait3A_313 = tpu.memref_slice %arg3[%min3A_3] : memref<100000xi32, #tpu.memory_space<hbm>> -> memref<3128xi32, #tpu.memory_space<hbm>>
      %dma_wait3A_314 = arith.constant 0 : i32
      %dma_wait3A_315 = tpu.memref_slice %arg11[%run_scoped3A_4, %dma_wait3A_314] : memref<4x3128xi32, #tpu.memory_space<vmem>> -> memref<1x3128xi32, #tpu.memory_space<vmem>>
      %dma_wait3A_316 = tpu.memref_squeeze %dma_wait3A_315 : memref<1x3128xi32, #tpu.memory_space<vmem>> -> memref<3128xi32, #tpu.memory_space<vmem>>
      %dma_wait3A_317 = tpu.memref_slice %arg3[%min3A_3] : memref<100000xi32, #tpu.memory_space<hbm>> -> memref<3128xi32, #tpu.memory_space<hbm>>
      tpu.wait_dma2 semaphore(%run_scoped3A_301 : memref<!tpu.dma_semaphore, #tpu.memory_space<semaphore_mem>>) src(%dma_wait3A_317 : memref<3128xi32, #tpu.memory_space<hbm>>) dst(%dma_wait3A_316 : memref<3128xi32, #tpu.memory_space<vmem>>)
      tpu.yield
    }) : () -> ()
    %run_scoped3A_5 = arith.constant 2 : i32
    "tpu.region"() ({
      %run_scoped3A_301 = tpu.sem_alloc : memref<!tpu.dma_semaphore, #tpu.memory_space<semaphore_mem>>
      %dma_start3A_302 = arith.constant 0 : i32
      %dma_start3A_303 = tpu.memref_slice %arg11[%run_scoped3A_5, %dma_start3A_302] : memref<4x3128xi32, #tpu.memory_space<vmem>> -> memref<1x3128xi32, #tpu.memory_space<vmem>>
      %dma_start3A_304 = tpu.memref_squeeze %dma_start3A_303 : memref<1x3128xi32, #tpu.memory_space<vmem>> -> memref<3128xi32, #tpu.memory_space<vmem>>
      %dma_start3A_305 = tpu.memref_slice %arg4[%min3A_3] : memref<100000xi32, #tpu.memory_space<hbm>> -> memref<3128xi32, #tpu.memory_space<hbm>>
      %dma_start3A_306 = arith.constant 0 : i32
      %dma_start3A_307 = tpu.memref_slice %arg11[%run_scoped3A_5, %dma_start3A_306] : memref<4x3128xi32, #tpu.memory_space<vmem>> -> memref<1x3128xi32, #tpu.memory_space<vmem>>
      %dma_start3A_308 = tpu.memref_squeeze %dma_start3A_307 : memref<1x3128xi32, #tpu.memory_space<vmem>> -> memref<3128xi32, #tpu.memory_space<vmem>>
      %dma_start3A_309 = tpu.memref_slice %arg4[%min3A_3] : memref<100000xi32, #tpu.memory_space<hbm>> -> memref<3128xi32, #tpu.memory_space<hbm>>
      tpu.enqueue_dma source(%dma_start3A_309 : memref<3128xi32, #tpu.memory_space<hbm>>) target(%dma_start3A_308 : memref<3128xi32, #tpu.memory_space<vmem>>) target_semaphore(%run_scoped3A_301 : memref<!tpu.dma_semaphore, #tpu.memory_space<semaphore_mem>>)
      %dma_wait3A_310 = arith.constant 0 : i32
      %dma_wait3A_311 = tpu.memref_slice %arg11[%run_scoped3A_5, %dma_wait3A_310] : memref<4x3128xi32, #tpu.memory_space<vmem>> -> memref<1x3128xi32, #tpu.memory_space<vmem>>
      %dma_wait3A_312 = tpu.memref_squeeze %dma_wait3A_311 : memref<1x3128xi32, #tpu.memory_space<vmem>> -> memref<3128xi32, #tpu.memory_space<vmem>>
      %dma_wait3A_313 = tpu.memref_slice %arg4[%min3A_3] : memref<100000xi32, #tpu.memory_space<hbm>> -> memref<3128xi32, #tpu.memory_space<hbm>>
      %dma_wait3A_314 = arith.constant 0 : i32
      %dma_wait3A_315 = tpu.memref_slice %arg11[%run_scoped3A_5, %dma_wait3A_314] : memref<4x3128xi32, #tpu.memory_space<vmem>> -> memref<1x3128xi32, #tpu.memory_space<vmem>>
      %dma_wait3A_316 = tpu.memref_squeeze %dma_wait3A_315 : memref<1x3128xi32, #tpu.memory_space<vmem>> -> memref<3128xi32, #tpu.memory_space<vmem>>
      %dma_wait3A_317 = tpu.memref_slice %arg4[%min3A_3] : memref<100000xi32, #tpu.memory_space<hbm>> -> memref<3128xi32, #tpu.memory_space<hbm>>
      tpu.wait_dma2 semaphore(%run_scoped3A_301 : memref<!tpu.dma_semaphore, #tpu.memory_space<semaphore_mem>>) src(%dma_wait3A_317 : memref<3128xi32, #tpu.memory_space<hbm>>) dst(%dma_wait3A_316 : memref<3128xi32, #tpu.memory_space<vmem>>)
      tpu.yield
    }) : () -> ()
    %run_scoped3A_6 = arith.constant 3 : i32
    "tpu.region"() ({
      %run_scoped3A_301 = tpu.sem_alloc : memref<!tpu.dma_semaphore, #tpu.memory_space<semaphore_mem>>
      %dma_start3A_302 = arith.constant 0 : i32
      %dma_start3A_303 = tpu.memref_slice %arg11[%run_scoped3A_6, %dma_start3A_302] : memref<4x3128xi32, #tpu.memory_space<vmem>> -> memref<1x3128xi32, #tpu.memory_space<vmem>>
      %dma_start3A_304 = tpu.memref_squeeze %dma_start3A_303 : memref<1x3128xi32, #tpu.memory_space<vmem>> -> memref<3128xi32, #tpu.memory_space<vmem>>
      %dma_start3A_305 = tpu.memref_slice %arg5[%min3A_3] : memref<100000xi32, #tpu.memory_space<hbm>> -> memref<3128xi32, #tpu.memory_space<hbm>>
      %dma_start3A_306 = arith.constant 0 : i32
      %dma_start3A_307 = tpu.memref_slice %arg11[%run_scoped3A_6, %dma_start3A_306] : memref<4x3128xi32, #tpu.memory_space<vmem>> -> memref<1x3128xi32, #tpu.memory_space<vmem>>
      %dma_start3A_308 = tpu.memref_squeeze %dma_start3A_307 : memref<1x3128xi32, #tpu.memory_space<vmem>> -> memref<3128xi32, #tpu.memory_space<vmem>>
      %dma_start3A_309 = tpu.memref_slice %arg5[%min3A_3] : memref<100000xi32, #tpu.memory_space<hbm>> -> memref<3128xi32, #tpu.memory_space<hbm>>
      tpu.enqueue_dma source(%dma_start3A_309 : memref<3128xi32, #tpu.memory_space<hbm>>) target(%dma_start3A_308 : memref<3128xi32, #tpu.memory_space<vmem>>) target_semaphore(%run_scoped3A_301 : memref<!tpu.dma_semaphore, #tpu.memory_space<semaphore_mem>>)
      %dma_wait3A_310 = arith.constant 0 : i32
      %dma_wait3A_311 = tpu.memref_slice %arg11[%run_scoped3A_6, %dma_wait3A_310] : memref<4x3128xi32, #tpu.memory_space<vmem>> -> memref<1x3128xi32, #tpu.memory_space<vmem>>
      %dma_wait3A_312 = tpu.memref_squeeze %dma_wait3A_311 : memref<1x3128xi32, #tpu.memory_space<vmem>> -> memref<3128xi32, #tpu.memory_space<vmem>>
      %dma_wait3A_313 = tpu.memref_slice %arg5[%min3A_3] : memref<100000xi32, #tpu.memory_space<hbm>> -> memref<3128xi32, #tpu.memory_space<hbm>>
      %dma_wait3A_314 = arith.constant 0 : i32
      %dma_wait3A_315 = tpu.memref_slice %arg11[%run_scoped3A_6, %dma_wait3A_314] : memref<4x3128xi32, #tpu.memory_space<vmem>> -> memref<1x3128xi32, #tpu.memory_space<vmem>>
      %dma_wait3A_316 = tpu.memref_squeeze %dma_wait3A_315 : memref<1x3128xi32, #tpu.memory_space<vmem>> -> memref<3128xi32, #tpu.memory_space<vmem>>
      %dma_wait3A_317 = tpu.memref_slice %arg5[%min3A_3] : memref<100000xi32, #tpu.memory_space<hbm>> -> memref<3128xi32, #tpu.memory_space<hbm>>
      tpu.wait_dma2 semaphore(%run_scoped3A_301 : memref<!tpu.dma_semaphore, #tpu.memory_space<semaphore_mem>>) src(%dma_wait3A_317 : memref<3128xi32, #tpu.memory_space<hbm>>) dst(%dma_wait3A_316 : memref<3128xi32, #tpu.memory_space<vmem>>)
      tpu.yield
    }) : () -> ()
    %dma_start3A = arith.constant 0 : i32
    %dma_start3A_7 = arith.constant 0 : i32
    %dma_start3A_8 = tpu.memref_slice %arg11[%dma_start3A, %dma_start3A_7] : memref<4x3128xi32, #tpu.memory_space<vmem>> -> memref<1x128xi32, #tpu.memory_space<vmem>>
    %dma_start3A_9 = tpu.memref_squeeze %dma_start3A_8 : memref<1x128xi32, #tpu.memory_space<vmem>> -> memref<128xi32, #tpu.memory_space<vmem>>
    %dma_start3A_10 = arith.constant 0 : i32
    %dma_start3A_11 = arith.constant 0 : i32
    %dma_start3A_12 = tpu.memref_slice %arg6[%dma_start3A_10, %dma_start3A_11] : memref<128x16xf32, #tpu.memory_space<hbm>> -> memref<128x16xf32, #tpu.memory_space<hbm>>
    tpu.enqueue_indirect_dma source(%dma_start3A_12 : memref<128x16xf32, #tpu.memory_space<hbm>>) target(%arg12 : memref<128x16xf32, #tpu.memory_space<vmem>>) offsets(%dma_start3A_9 : memref<128xi32, #tpu.memory_space<vmem>>) semaphore(%arg40 : memref<!tpu.dma_semaphore, #tpu.memory_space<semaphore_mem>>)
    %dma_start3A_13 = arith.constant 1 : i32
    %dma_start3A_14 = arith.constant 0 : i32
    %dma_start3A_15 = tpu.memref_slice %arg11[%dma_start3A_13, %dma_start3A_14] : memref<4x3128xi32, #tpu.memory_space<vmem>> -> memref<1x128xi32, #tpu.memory_space<vmem>>
    %dma_start3A_16 = tpu.memref_squeeze %dma_start3A_15 : memref<1x128xi32, #tpu.memory_space<vmem>> -> memref<128xi32, #tpu.memory_space<vmem>>
    %dma_start3A_17 = arith.constant 0 : i32
    %dma_start3A_18 = arith.constant 0 : i32
    %dma_start3A_19 = tpu.memref_slice %arg7[%dma_start3A_17, %dma_start3A_18] : memref<1024x32xf32, #tpu.memory_space<hbm>> -> memref<1024x32xf32, #tpu.memory_space<hbm>>
    tpu.enqueue_indirect_dma source(%dma_start3A_19 : memref<1024x32xf32, #tpu.memory_space<hbm>>) target(%arg13 : memref<128x32xf32, #tpu.memory_space<vmem>>) offsets(%dma_start3A_16 : memref<128xi32, #tpu.memory_space<vmem>>) semaphore(%arg40 : memref<!tpu.dma_semaphore, #tpu.memory_space<semaphore_mem>>)
    %dma_start3A_20 = arith.constant 2 : i32
    %dma_start3A_21 = arith.constant 0 : i32
    %dma_start3A_22 = tpu.memref_slice %arg11[%dma_start3A_20, %dma_start3A_21] : memref<4x3128xi32, #tpu.memory_space<vmem>> -> memref<1x128xi32, #tpu.memory_space<vmem>>
    %dma_start3A_23 = tpu.memref_squeeze %dma_start3A_22 : memref<1x128xi32, #tpu.memory_space<vmem>> -> memref<128xi32, #tpu.memory_space<vmem>>
    %dma_start3A_24 = arith.constant 0 : i32
    %dma_start3A_25 = arith.constant 0 : i32
    %dma_start3A_26 = tpu.memref_slice %arg8[%dma_start3A_24, %dma_start3A_25] : memref<16384x32xf32, #tpu.memory_space<hbm>> -> memref<16384x32xf32, #tpu.memory_space<hbm>>
    tpu.enqueue_indirect_dma source(%dma_start3A_26 : memref<16384x32xf32, #tpu.memory_space<hbm>>) target(%arg14 : memref<128x32xf32, #tpu.memory_space<vmem>>) offsets(%dma_start3A_23 : memref<128xi32, #tpu.memory_space<vmem>>) semaphore(%arg40 : memref<!tpu.dma_semaphore, #tpu.memory_space<semaphore_mem>>)
    %dma_start3A_27 = arith.constant 3 : i32
    %dma_start3A_28 = arith.constant 0 : i32
    %dma_start3A_29 = tpu.memref_slice %arg11[%dma_start3A_27, %dma_start3A_28] : memref<4x3128xi32, #tpu.memory_space<vmem>> -> memref<1x128xi32, #tpu.memory_space<vmem>>
    %dma_start3A_30 = tpu.memref_squeeze %dma_start3A_29 : memref<1x128xi32, #tpu.memory_space<vmem>> -> memref<128xi32, #tpu.memory_space<vmem>>
    %dma_start3A_31 = arith.constant 0 : i32
    %dma_start3A_32 = arith.constant 0 : i32
    %dma_start3A_33 = tpu.memref_slice %arg9[%dma_start3A_31, %dma_start3A_32] : memref<100000x48xf32, #tpu.memory_space<hbm>> -> memref<100000x48xf32, #tpu.memory_space<hbm>>
    tpu.enqueue_indirect_dma source(%dma_start3A_33 : memref<100000x48xf32, #tpu.memory_space<hbm>>) target(%arg15 : memref<128x48xf32, #tpu.memory_space<vmem>>) offsets(%dma_start3A_30 : memref<128xi32, #tpu.memory_space<vmem>>) semaphore(%arg40 : memref<!tpu.dma_semaphore, #tpu.memory_space<semaphore_mem>>)
    %dma_start3A_34 = arith.constant 0 : i32
    %dma_start3A_35 = arith.constant 128 : i32
    %dma_start3A_36 = tpu.memref_slice %arg11[%dma_start3A_34, %dma_start3A_35] : memref<4x3128xi32, #tpu.memory_space<vmem>> -> memref<1x128xi32, #tpu.memory_space<vmem>>
    %dma_start3A_37 = tpu.memref_squeeze %dma_start3A_36 : memref<1x128xi32, #tpu.memory_space<vmem>> -> memref<128xi32, #tpu.memory_space<vmem>>
    %dma_start3A_38 = arith.constant 0 : i32
    %dma_start3A_39 = arith.constant 0 : i32
    %dma_start3A_40 = tpu.memref_slice %arg6[%dma_start3A_38, %dma_start3A_39] : memref<128x16xf32, #tpu.memory_space<hbm>> -> memref<128x16xf32, #tpu.memory_space<hbm>>
    tpu.enqueue_indirect_dma source(%dma_start3A_40 : memref<128x16xf32, #tpu.memory_space<hbm>>) target(%arg16 : memref<128x16xf32, #tpu.memory_space<vmem>>) offsets(%dma_start3A_37 : memref<128xi32, #tpu.memory_space<vmem>>) semaphore(%arg41 : memref<!tpu.dma_semaphore, #tpu.memory_space<semaphore_mem>>)
    %dma_start3A_41 = arith.constant 1 : i32
    %dma_start3A_42 = arith.constant 128 : i32
    %dma_start3A_43 = tpu.memref_slice %arg11[%dma_start3A_41, %dma_start3A_42] : memref<4x3128xi32, #tpu.memory_space<vmem>> -> memref<1x128xi32, #tpu.memory_space<vmem>>
    %dma_start3A_44 = tpu.memref_squeeze %dma_start3A_43 : memref<1x128xi32, #tpu.memory_space<vmem>> -> memref<128xi32, #tpu.memory_space<vmem>>
    %dma_start3A_45 = arith.constant 0 : i32
    %dma_start3A_46 = arith.constant 0 : i32
    %dma_start3A_47 = tpu.memref_slice %arg7[%dma_start3A_45, %dma_start3A_46] : memref<1024x32xf32, #tpu.memory_space<hbm>> -> memref<1024x32xf32, #tpu.memory_space<hbm>>
    tpu.enqueue_indirect_dma source(%dma_start3A_47 : memref<1024x32xf32, #tpu.memory_space<hbm>>) target(%arg17 : memref<128x32xf32, #tpu.memory_space<vmem>>) offsets(%dma_start3A_44 : memref<128xi32, #tpu.memory_space<vmem>>) semaphore(%arg41 : memref<!tpu.dma_semaphore, #tpu.memory_space<semaphore_mem>>)
    %dma_start3A_48 = arith.constant 2 : i32
    %dma_start3A_49 = arith.constant 128 : i32
    %dma_start3A_50 = tpu.memref_slice %arg11[%dma_start3A_48, %dma_start3A_49] : memref<4x3128xi32, #tpu.memory_space<vmem>> -> memref<1x128xi32, #tpu.memory_space<vmem>>
    %dma_start3A_51 = tpu.memref_squeeze %dma_start3A_50 : memref<1x128xi32, #tpu.memory_space<vmem>> -> memref<128xi32, #tpu.memory_space<vmem>>
    %dma_start3A_52 = arith.constant 0 : i32
    %dma_start3A_53 = arith.constant 0 : i32
    %dma_start3A_54 = tpu.memref_slice %arg8[%dma_start3A_52, %dma_start3A_53] : memref<16384x32xf32, #tpu.memory_space<hbm>> -> memref<16384x32xf32, #tpu.memory_space<hbm>>
    tpu.enqueue_indirect_dma source(%dma_start3A_54 : memref<16384x32xf32, #tpu.memory_space<hbm>>) target(%arg18 : memref<128x32xf32, #tpu.memory_space<vmem>>) offsets(%dma_start3A_51 : memref<128xi32, #tpu.memory_space<vmem>>) semaphore(%arg41 : memref<!tpu.dma_semaphore, #tpu.memory_space<semaphore_mem>>)
    %dma_start3A_55 = arith.constant 3 : i32
    %dma_start3A_56 = arith.constant 128 : i32
    %dma_start3A_57 = tpu.memref_slice %arg11[%dma_start3A_55, %dma_start3A_56] : memref<4x3128xi32, #tpu.memory_space<vmem>> -> memref<1x128xi32, #tpu.memory_space<vmem>>
    %dma_start3A_58 = tpu.memref_squeeze %dma_start3A_57 : memref<1x128xi32, #tpu.memory_space<vmem>> -> memref<128xi32, #tpu.memory_space<vmem>>
    %dma_start3A_59 = arith.constant 0 : i32
    %dma_start3A_60 = arith.constant 0 : i32
    %dma_start3A_61 = tpu.memref_slice %arg9[%dma_start3A_59, %dma_start3A_60] : memref<100000x48xf32, #tpu.memory_space<hbm>> -> memref<100000x48xf32, #tpu.memory_space<hbm>>
    tpu.enqueue_indirect_dma source(%dma_start3A_61 : memref<100000x48xf32, #tpu.memory_space<hbm>>) target(%arg19 : memref<128x48xf32, #tpu.memory_space<vmem>>) offsets(%dma_start3A_58 : memref<128xi32, #tpu.memory_space<vmem>>) semaphore(%arg41 : memref<!tpu.dma_semaphore, #tpu.memory_space<semaphore_mem>>)
    %dma_start3A_62 = arith.constant 0 : i32
    %dma_start3A_63 = arith.constant 256 : i32
    %dma_start3A_64 = tpu.memref_slice %arg11[%dma_start3A_62, %dma_start3A_63] : memref<4x3128xi32, #tpu.memory_space<vmem>> -> memref<1x128xi32, #tpu.memory_space<vmem>>
    %dma_start3A_65 = tpu.memref_squeeze %dma_start3A_64 : memref<1x128xi32, #tpu.memory_space<vmem>> -> memref<128xi32, #tpu.memory_space<vmem>>
    %dma_start3A_66 = arith.constant 0 : i32
    %dma_start3A_67 = arith.constant 0 : i32
    %dma_start3A_68 = tpu.memref_slice %arg6[%dma_start3A_66, %dma_start3A_67] : memref<128x16xf32, #tpu.memory_space<hbm>> -> memref<128x16xf32, #tpu.memory_space<hbm>>
    tpu.enqueue_indirect_dma source(%dma_start3A_68 : memref<128x16xf32, #tpu.memory_space<hbm>>) target(%arg20 : memref<128x16xf32, #tpu.memory_space<vmem>>) offsets(%dma_start3A_65 : memref<128xi32, #tpu.memory_space<vmem>>) semaphore(%arg42 : memref<!tpu.dma_semaphore, #tpu.memory_space<semaphore_mem>>)
    %dma_start3A_69 = arith.constant 1 : i32
    %dma_start3A_70 = arith.constant 256 : i32
    %dma_start3A_71 = tpu.memref_slice %arg11[%dma_start3A_69, %dma_start3A_70] : memref<4x3128xi32, #tpu.memory_space<vmem>> -> memref<1x128xi32, #tpu.memory_space<vmem>>
    %dma_start3A_72 = tpu.memref_squeeze %dma_start3A_71 : memref<1x128xi32, #tpu.memory_space<vmem>> -> memref<128xi32, #tpu.memory_space<vmem>>
    %dma_start3A_73 = arith.constant 0 : i32
    %dma_start3A_74 = arith.constant 0 : i32
    %dma_start3A_75 = tpu.memref_slice %arg7[%dma_start3A_73, %dma_start3A_74] : memref<1024x32xf32, #tpu.memory_space<hbm>> -> memref<1024x32xf32, #tpu.memory_space<hbm>>
    tpu.enqueue_indirect_dma source(%dma_start3A_75 : memref<1024x32xf32, #tpu.memory_space<hbm>>) target(%arg21 : memref<128x32xf32, #tpu.memory_space<vmem>>) offsets(%dma_start3A_72 : memref<128xi32, #tpu.memory_space<vmem>>) semaphore(%arg42 : memref<!tpu.dma_semaphore, #tpu.memory_space<semaphore_mem>>)
    %dma_start3A_76 = arith.constant 2 : i32
    %dma_start3A_77 = arith.constant 256 : i32
    %dma_start3A_78 = tpu.memref_slice %arg11[%dma_start3A_76, %dma_start3A_77] : memref<4x3128xi32, #tpu.memory_space<vmem>> -> memref<1x128xi32, #tpu.memory_space<vmem>>
    %dma_start3A_79 = tpu.memref_squeeze %dma_start3A_78 : memref<1x128xi32, #tpu.memory_space<vmem>> -> memref<128xi32, #tpu.memory_space<vmem>>
    %dma_start3A_80 = arith.constant 0 : i32
    %dma_start3A_81 = arith.constant 0 : i32
    %dma_start3A_82 = tpu.memref_slice %arg8[%dma_start3A_80, %dma_start3A_81] : memref<16384x32xf32, #tpu.memory_space<hbm>> -> memref<16384x32xf32, #tpu.memory_space<hbm>>
    tpu.enqueue_indirect_dma source(%dma_start3A_82 : memref<16384x32xf32, #tpu.memory_space<hbm>>) target(%arg22 : memref<128x32xf32, #tpu.memory_space<vmem>>) offsets(%dma_start3A_79 : memref<128xi32, #tpu.memory_space<vmem>>) semaphore(%arg42 : memref<!tpu.dma_semaphore, #tpu.memory_space<semaphore_mem>>)
    %dma_start3A_83 = arith.constant 3 : i32
    %dma_start3A_84 = arith.constant 256 : i32
    %dma_start3A_85 = tpu.memref_slice %arg11[%dma_start3A_83, %dma_start3A_84] : memref<4x3128xi32, #tpu.memory_space<vmem>> -> memref<1x128xi32, #tpu.memory_space<vmem>>
    %dma_start3A_86 = tpu.memref_squeeze %dma_start3A_85 : memref<1x128xi32, #tpu.memory_space<vmem>> -> memref<128xi32, #tpu.memory_space<vmem>>
    %dma_start3A_87 = arith.constant 0 : i32
    %dma_start3A_88 = arith.constant 0 : i32
    %dma_start3A_89 = tpu.memref_slice %arg9[%dma_start3A_87, %dma_start3A_88] : memref<100000x48xf32, #tpu.memory_space<hbm>> -> memref<100000x48xf32, #tpu.memory_space<hbm>>
    tpu.enqueue_indirect_dma source(%dma_start3A_89 : memref<100000x48xf32, #tpu.memory_space<hbm>>) target(%arg23 : memref<128x48xf32, #tpu.memory_space<vmem>>) offsets(%dma_start3A_86 : memref<128xi32, #tpu.memory_space<vmem>>) semaphore(%arg42 : memref<!tpu.dma_semaphore, #tpu.memory_space<semaphore_mem>>)
    %dma_start3A_90 = arith.constant 0 : i32
    %dma_start3A_91 = arith.constant 3072 : i32
    %dma_start3A_92 = tpu.memref_slice %arg11[%dma_start3A_90, %dma_start3A_91] : memref<4x3128xi32, #tpu.memory_space<vmem>> -> memref<1x56xi32, #tpu.memory_space<vmem>>
    %dma_start3A_93 = tpu.memref_squeeze %dma_start3A_92 : memref<1x56xi32, #tpu.memory_space<vmem>> -> memref<56xi32, #tpu.memory_space<vmem>>
    %dma_start3A_94 = arith.constant 0 : i32
    %dma_start3A_95 = arith.constant 0 : i32
    %dma_start3A_96 = tpu.memref_slice %arg6[%dma_start3A_94, %dma_start3A_95] : memref<128x16xf32, #tpu.memory_space<hbm>> -> memref<128x16xf32, #tpu.memory_space<hbm>>
    tpu.enqueue_indirect_dma source(%dma_start3A_96 : memref<128x16xf32, #tpu.memory_space<hbm>>) target(%arg36 : memref<56x16xf32, #tpu.memory_space<vmem>>) offsets(%dma_start3A_93 : memref<56xi32, #tpu.memory_space<vmem>>) semaphore(%arg52 : memref<!tpu.dma_semaphore, #tpu.memory_space<semaphore_mem>>)
    %dma_start3A_97 = arith.constant 1 : i32
    %dma_start3A_98 = arith.constant 3072 : i32
    %dma_start3A_99 = tpu.memref_slice %arg11[%dma_start3A_97, %dma_start3A_98] : memref<4x3128xi32, #tpu.memory_space<vmem>> -> memref<1x56xi32, #tpu.memory_space<vmem>>
    %dma_start3A_100 = tpu.memref_squeeze %dma_start3A_99 : memref<1x56xi32, #tpu.memory_space<vmem>> -> memref<56xi32, #tpu.memory_space<vmem>>
    %dma_start3A_101 = arith.constant 0 : i32
    %dma_start3A_102 = arith.constant 0 : i32
    %dma_start3A_103 = tpu.memref_slice %arg7[%dma_start3A_101, %dma_start3A_102] : memref<1024x32xf32, #tpu.memory_space<hbm>> -> memref<1024x32xf32, #tpu.memory_space<hbm>>
    tpu.enqueue_indirect_dma source(%dma_start3A_103 : memref<1024x32xf32, #tpu.memory_space<hbm>>) target(%arg37 : memref<56x32xf32, #tpu.memory_space<vmem>>) offsets(%dma_start3A_100 : memref<56xi32, #tpu.memory_space<vmem>>) semaphore(%arg52 : memref<!tpu.dma_semaphore, #tpu.memory_space<semaphore_mem>>)
    %dma_start3A_104 = arith.constant 2 : i32
    %dma_start3A_105 = arith.constant 3072 : i32
    %dma_start3A_106 = tpu.memref_slice %arg11[%dma_start3A_104, %dma_start3A_105] : memref<4x3128xi32, #tpu.memory_space<vmem>> -> memref<1x56xi32, #tpu.memory_space<vmem>>
    %dma_start3A_107 = tpu.memref_squeeze %dma_start3A_106 : memref<1x56xi32, #tpu.memory_space<vmem>> -> memref<56xi32, #tpu.memory_space<vmem>>
    %dma_start3A_108 = arith.constant 0 : i32
    %dma_start3A_109 = arith.constant 0 : i32
    %dma_start3A_110 = tpu.memref_slice %arg8[%dma_start3A_108, %dma_start3A_109] : memref<16384x32xf32, #tpu.memory_space<hbm>> -> memref<16384x32xf32, #tpu.memory_space<hbm>>
    tpu.enqueue_indirect_dma source(%dma_start3A_110 : memref<16384x32xf32, #tpu.memory_space<hbm>>) target(%arg38 : memref<56x32xf32, #tpu.memory_space<vmem>>) offsets(%dma_start3A_107 : memref<56xi32, #tpu.memory_space<vmem>>) semaphore(%arg52 : memref<!tpu.dma_semaphore, #tpu.memory_space<semaphore_mem>>)
    %dma_start3A_111 = arith.constant 3 : i32
    %dma_start3A_112 = arith.constant 3072 : i32
    %dma_start3A_113 = tpu.memref_slice %arg11[%dma_start3A_111, %dma_start3A_112] : memref<4x3128xi32, #tpu.memory_space<vmem>> -> memref<1x56xi32, #tpu.memory_space<vmem>>
    %dma_start3A_114 = tpu.memref_squeeze %dma_start3A_113 : memref<1x56xi32, #tpu.memory_space<vmem>> -> memref<56xi32, #tpu.memory_space<vmem>>
    %dma_start3A_115 = arith.constant 0 : i32
    %dma_start3A_116 = arith.constant 0 : i32
    %dma_start3A_117 = tpu.memref_slice %arg9[%dma_start3A_115, %dma_start3A_116] : memref<100000x48xf32, #tpu.memory_space<hbm>> -> memref<100000x48xf32, #tpu.memory_space<hbm>>
    tpu.enqueue_indirect_dma source(%dma_start3A_117 : memref<100000x48xf32, #tpu.memory_space<hbm>>) target(%arg39 : memref<56x48xf32, #tpu.memory_space<vmem>>) offsets(%dma_start3A_114 : memref<56xi32, #tpu.memory_space<vmem>>) semaphore(%arg52 : memref<!tpu.dma_semaphore, #tpu.memory_space<semaphore_mem>>)
    %scan3A = arith.constant 0 : i32
    %scan3A_118 = arith.constant 4 : i32
    %scan3A_119 = arith.addi %scan3A, %scan3A_118 : i32
    %scan3A_120 = arith.constant 1 : i32
    scf.for %scan3A_301 = %scan3A to %scan3A_119 step %scan3A_120  : i32 {
      %mul3A_302 = arith.constant 1 : i32
      %mul3A_303 = arith.muli %scan3A_301, %mul3A_302 : i32
      %add3A_304 = arith.constant 0 : i32
      %add3A_305 = arith.addi %add3A_304, %mul3A_303 : i32
      %mul3A_306 = arith.constant 6 : i32
      %mul3A_307 = arith.muli %add3A_305, %mul3A_306 : i32
      %add3A_308 = arith.constant 0 : i32
      %add3A_309 = arith.addi %mul3A_307, %add3A_308 : i32
      %mul3A_310 = arith.constant 128 : i32
      %mul3A_311 = arith.muli %add3A_309, %mul3A_310 : i32
      %dma_wait3A_312 = arith.constant 0 : i32
      %dma_wait3A_313 = tpu.memref_slice %arg11[%dma_wait3A_312, %mul3A_311] : memref<4x3128xi32, #tpu.memory_space<vmem>> -> memref<1x128xi32, #tpu.memory_space<vmem>>
      %dma_wait3A_314 = tpu.memref_squeeze %dma_wait3A_313 : memref<1x128xi32, #tpu.memory_space<vmem>> -> memref<128xi32, #tpu.memory_space<vmem>>
      %dma_wait3A_315 = arith.constant 0 : i32
      %dma_wait3A_316 = arith.constant 0 : i32
      %dma_wait3A_317 = tpu.memref_slice %arg6[%dma_wait3A_315, %dma_wait3A_316] : memref<128x16xf32, #tpu.memory_space<hbm>> -> memref<128x16xf32, #tpu.memory_space<hbm>>
      tpu.wait_indirect_dma semaphore(%arg40 : memref<!tpu.dma_semaphore, #tpu.memory_space<semaphore_mem>>) src(%dma_wait3A_317 : memref<128x16xf32, #tpu.memory_space<hbm>>) dst(%arg12 : memref<128x16xf32, #tpu.memory_space<vmem>>)
      %dma_wait3A_318 = arith.constant 1 : i32
      %dma_wait3A_319 = tpu.memref_slice %arg11[%dma_wait3A_318, %mul3A_311] : memref<4x3128xi32, #tpu.memory_space<vmem>> -> memref<1x128xi32, #tpu.memory_space<vmem>>
      %dma_wait3A_320 = tpu.memref_squeeze %dma_wait3A_319 : memref<1x128xi32, #tpu.memory_space<vmem>> -> memref<128xi32, #tpu.memory_space<vmem>>
      %dma_wait3A_321 = arith.constant 0 : i32
      %dma_wait3A_322 = arith.constant 0 : i32
      %dma_wait3A_323 = tpu.memref_slice %arg7[%dma_wait3A_321, %dma_wait3A_322] : memref<1024x32xf32, #tpu.memory_space<hbm>> -> memref<1024x32xf32, #tpu.memory_space<hbm>>
      tpu.wait_indirect_dma semaphore(%arg40 : memref<!tpu.dma_semaphore, #tpu.memory_space<semaphore_mem>>) src(%dma_wait3A_323 : memref<1024x32xf32, #tpu.memory_space<hbm>>) dst(%arg13 : memref<128x32xf32, #tpu.memory_space<vmem>>)
      %dma_wait3A_324 = arith.constant 2 : i32
      %dma_wait3A_325 = tpu.memref_slice %arg11[%dma_wait3A_324, %mul3A_311] : memref<4x3128xi32, #tpu.memory_space<vmem>> -> memref<1x128xi32, #tpu.memory_space<vmem>>
      %dma_wait3A_326 = tpu.memref_squeeze %dma_wait3A_325 : memref<1x128xi32, #tpu.memory_space<vmem>> -> memref<128xi32, #tpu.memory_space<vmem>>
      %dma_wait3A_327 = arith.constant 0 : i32
      %dma_wait3A_328 = arith.constant 0 : i32
      %dma_wait3A_329 = tpu.memref_slice %arg8[%dma_wait3A_327, %dma_wait3A_328] : memref<16384x32xf32, #tpu.memory_space<hbm>> -> memref<16384x32xf32, #tpu.memory_space<hbm>>
      tpu.wait_indirect_dma semaphore(%arg40 : memref<!tpu.dma_semaphore, #tpu.memory_space<semaphore_mem>>) src(%dma_wait3A_329 : memref<16384x32xf32, #tpu.memory_space<hbm>>) dst(%arg14 : memref<128x32xf32, #tpu.memory_space<vmem>>)
      %dma_wait3A_330 = arith.constant 3 : i32
      %dma_wait3A_331 = tpu.memref_slice %arg11[%dma_wait3A_330, %mul3A_311] : memref<4x3128xi32, #tpu.memory_space<vmem>> -> memref<1x128xi32, #tpu.memory_space<vmem>>
      %dma_wait3A_332 = tpu.memref_squeeze %dma_wait3A_331 : memref<1x128xi32, #tpu.memory_space<vmem>> -> memref<128xi32, #tpu.memory_space<vmem>>
      %dma_wait3A_333 = arith.constant 0 : i32
      %dma_wait3A_334 = arith.constant 0 : i32
      %dma_wait3A_335 = tpu.memref_slice %arg9[%dma_wait3A_333, %dma_wait3A_334] : memref<100000x48xf32, #tpu.memory_space<hbm>> -> memref<100000x48xf32, #tpu.memory_space<hbm>>
      tpu.wait_indirect_dma semaphore(%arg40 : memref<!tpu.dma_semaphore, #tpu.memory_space<semaphore_mem>>) src(%dma_wait3A_335 : memref<100000x48xf32, #tpu.memory_space<hbm>>) dst(%arg15 : memref<128x48xf32, #tpu.memory_space<vmem>>)
      %add3A_336 = arith.addi %min3A_3, %mul3A_311 : i32
      %dma_start3A_337 = arith.constant 0 : i32
      %dma_start3A_338 = tpu.memref_slice %arg10[%add3A_336, %dma_start3A_337] : memref<100000x128xf32, #tpu.memory_space<hbm>> -> memref<128x16xf32, #tpu.memory_space<hbm>>
      %dma_start3A_339 = arith.constant 0 : i32
      %dma_start3A_340 = tpu.memref_slice %arg10[%add3A_336, %dma_start3A_339] : memref<100000x128xf32, #tpu.memory_space<hbm>> -> memref<128x16xf32, #tpu.memory_space<hbm>>
      tpu.enqueue_dma source(%arg12 : memref<128x16xf32, #tpu.memory_space<vmem>>) target(%dma_start3A_340 : memref<128x16xf32, #tpu.memory_space<hbm>>) target_semaphore(%arg46 : memref<!tpu.dma_semaphore, #tpu.memory_space<semaphore_mem>>)
      %add3A_341 = arith.addi %min3A_3, %mul3A_311 : i32
      %dma_start3A_342 = arith.constant 16 : i32
      %dma_start3A_343 = tpu.memref_slice %arg10[%add3A_341, %dma_start3A_342] : memref<100000x128xf32, #tpu.memory_space<hbm>> -> memref<128x32xf32, #tpu.memory_space<hbm>>
      %dma_start3A_344 = arith.constant 16 : i32
      %dma_start3A_345 = tpu.memref_slice %arg10[%add3A_341, %dma_start3A_344] : memref<100000x128xf32, #tpu.memory_space<hbm>> -> memref<128x32xf32, #tpu.memory_space<hbm>>
      tpu.enqueue_dma source(%arg13 : memref<128x32xf32, #tpu.memory_space<vmem>>) target(%dma_start3A_345 : memref<128x32xf32, #tpu.memory_space<hbm>>) target_semaphore(%arg46 : memref<!tpu.dma_semaphore, #tpu.memory_space<semaphore_mem>>)
      %add3A_346 = arith.addi %min3A_3, %mul3A_311 : i32
      %dma_start3A_347 = arith.constant 48 : i32
      %dma_start3A_348 = tpu.memref_slice %arg10[%add3A_346, %dma_start3A_347] : memref<100000x128xf32, #tpu.memory_space<hbm>> -> memref<128x32xf32, #tpu.memory_space<hbm>>
      %dma_start3A_349 = arith.constant 48 : i32
      %dma_start3A_350 = tpu.memref_slice %arg10[%add3A_346, %dma_start3A_349] : memref<100000x128xf32, #tpu.memory_space<hbm>> -> memref<128x32xf32, #tpu.memory_space<hbm>>
      tpu.enqueue_dma source(%arg14 : memref<128x32xf32, #tpu.memory_space<vmem>>) target(%dma_start3A_350 : memref<128x32xf32, #tpu.memory_space<hbm>>) target_semaphore(%arg46 : memref<!tpu.dma_semaphore, #tpu.memory_space<semaphore_mem>>)
      %add3A_351 = arith.addi %min3A_3, %mul3A_311 : i32
      %dma_start3A_352 = arith.constant 80 : i32
      %dma_start3A_353 = tpu.memref_slice %arg10[%add3A_351, %dma_start3A_352] : memref<100000x128xf32, #tpu.memory_space<hbm>> -> memref<128x48xf32, #tpu.memory_space<hbm>>
      %dma_start3A_354 = arith.constant 80 : i32
      %dma_start3A_355 = tpu.memref_slice %arg10[%add3A_351, %dma_start3A_354] : memref<100000x128xf32, #tpu.memory_space<hbm>> -> memref<128x48xf32, #tpu.memory_space<hbm>>
      tpu.enqueue_dma source(%arg15 : memref<128x48xf32, #tpu.memory_space<vmem>>) target(%dma_start3A_355 : memref<128x48xf32, #tpu.memory_space<hbm>>) target_semaphore(%arg46 : memref<!tpu.dma_semaphore, #tpu.memory_space<semaphore_mem>>)
      %add3A_356 = arith.constant 3 : i32
      %add3A_357 = arith.addi %add3A_309, %add3A_356 : i32
      %lt3A = arith.constant 24 : i32
      %lt3A_358 = arith.cmpi slt, %add3A_357, %lt3A : i32
      %convert_element_type3A = arith.extui %lt3A_358 : i1 to i32
      %cond3A = arith.constant 0 : i32
      %cond3A_359 = arith.cmpi ne, %convert_element_type3A, %cond3A : i32
      scf.if %cond3A_359 {
        %ge3A = arith.constant 3 : i32
        %ge3A_645 = arith.cmpi sge, %add3A_309, %ge3A : i32
        %convert_element_type3A_646 = arith.extui %ge3A_645 : i1 to i32
        %cond3A_647 = arith.constant 0 : i32
        %cond3A_648 = arith.cmpi ne, %convert_element_type3A_646, %cond3A_647 : i32
        scf.if %cond3A_648 {
          %sub3A = arith.constant 3 : i32
          %sub3A_677 = arith.subi %add3A_309, %sub3A : i32
          %mul3A_678 = arith.constant 128 : i32
          %mul3A_679 = arith.muli %sub3A_677, %mul3A_678 : i32
          %add3A_680 = arith.addi %min3A_3, %mul3A_679 : i32
          %dma_wait3A_681 = arith.constant 0 : i32
          %dma_wait3A_682 = tpu.memref_slice %arg10[%add3A_680, %dma_wait3A_681] : memref<100000x128xf32, #tpu.memory_space<hbm>> -> memref<128x16xf32, #tpu.memory_space<hbm>>
          %dma_wait3A_683 = arith.constant 0 : i32
          %dma_wait3A_684 = tpu.memref_slice %arg10[%add3A_680, %dma_wait3A_683] : memref<100000x128xf32, #tpu.memory_space<hbm>> -> memref<128x16xf32, #tpu.memory_space<hbm>>
          tpu.wait_dma2 semaphore(%arg49 : memref<!tpu.dma_semaphore, #tpu.memory_space<semaphore_mem>>) src(%arg24 : memref<128x16xf32, #tpu.memory_space<vmem>>) dst(%dma_wait3A_684 : memref<128x16xf32, #tpu.memory_space<hbm>>)
          %add3A_685 = arith.addi %min3A_3, %mul3A_679 : i32
          %dma_wait3A_686 = arith.constant 16 : i32
          %dma_wait3A_687 = tpu.memref_slice %arg10[%add3A_685, %dma_wait3A_686] : memref<100000x128xf32, #tpu.memory_space<hbm>> -> memref<128x32xf32, #tpu.memory_space<hbm>>
          %dma_wait3A_688 = arith.constant 16 : i32
          %dma_wait3A_689 = tpu.memref_slice %arg10[%add3A_685, %dma_wait3A_688] : memref<100000x128xf32, #tpu.memory_space<hbm>> -> memref<128x32xf32, #tpu.memory_space<hbm>>
          tpu.wait_dma2 semaphore(%arg49 : memref<!tpu.dma_semaphore, #tpu.memory_space<semaphore_mem>>) src(%arg25 : memref<128x32xf32, #tpu.memory_space<vmem>>) dst(%dma_wait3A_689 : memref<128x32xf32, #tpu.memory_space<hbm>>)
          %add3A_690 = arith.addi %min3A_3, %mul3A_679 : i32
          %dma_wait3A_691 = arith.constant 48 : i32
          %dma_wait3A_692 = tpu.memref_slice %arg10[%add3A_690, %dma_wait3A_691] : memref<100000x128xf32, #tpu.memory_space<hbm>> -> memref<128x32xf32, #tpu.memory_space<hbm>>
          %dma_wait3A_693 = arith.constant 48 : i32
          %dma_wait3A_694 = tpu.memref_slice %arg10[%add3A_690, %dma_wait3A_693] : memref<100000x128xf32, #tpu.memory_space<hbm>> -> memref<128x32xf32, #tpu.memory_space<hbm>>
          tpu.wait_dma2 semaphore(%arg49 : memref<!tpu.dma_semaphore, #tpu.memory_space<semaphore_mem>>) src(%arg26 : memref<128x32xf32, #tpu.memory_space<vmem>>) dst(%dma_wait3A_694 : memref<128x32xf32, #tpu.memory_space<hbm>>)
          %add3A_695 = arith.addi %min3A_3, %mul3A_679 : i32
          %dma_wait3A_696 = arith.constant 80 : i32
          %dma_wait3A_697 = tpu.memref_slice %arg10[%add3A_695, %dma_wait3A_696] : memref<100000x128xf32, #tpu.memory_space<hbm>> -> memref<128x48xf32, #tpu.memory_space<hbm>>
          %dma_wait3A_698 = arith.constant 80 : i32
          %dma_wait3A_699 = tpu.memref_slice %arg10[%add3A_695, %dma_wait3A_698] : memref<100000x128xf32, #tpu.memory_space<hbm>> -> memref<128x48xf32, #tpu.memory_space<hbm>>
          tpu.wait_dma2 semaphore(%arg49 : memref<!tpu.dma_semaphore, #tpu.memory_space<semaphore_mem>>) src(%arg27 : memref<128x48xf32, #tpu.memory_space<vmem>>) dst(%dma_wait3A_699 : memref<128x48xf32, #tpu.memory_space<hbm>>)
        } else {
        }
        %add3A_649 = arith.constant 3 : i32
        %add3A_650 = arith.addi %add3A_309, %add3A_649 : i32
        %mul3A_651 = arith.constant 128 : i32
        %mul3A_652 = arith.muli %add3A_650, %mul3A_651 : i32
        %dma_start3A_653 = arith.constant 0 : i32
        %dma_start3A_654 = tpu.memref_slice %arg11[%dma_start3A_653, %mul3A_652] : memref<4x3128xi32, #tpu.memory_space<vmem>> -> memref<1x128xi32, #tpu.memory_space<vmem>>
        %dma_start3A_655 = tpu.memref_squeeze %dma_start3A_654 : memref<1x128xi32, #tpu.memory_space<vmem>> -> memref<128xi32, #tpu.memory_space<vmem>>
        %dma_start3A_656 = arith.constant 0 : i32
        %dma_start3A_657 = arith.constant 0 : i32
        %dma_start3A_658 = tpu.memref_slice %arg6[%dma_start3A_656, %dma_start3A_657] : memref<128x16xf32, #tpu.memory_space<hbm>> -> memref<128x16xf32, #tpu.memory_space<hbm>>
        tpu.enqueue_indirect_dma source(%dma_start3A_658 : memref<128x16xf32, #tpu.memory_space<hbm>>) target(%arg24 : memref<128x16xf32, #tpu.memory_space<vmem>>) offsets(%dma_start3A_655 : memref<128xi32, #tpu.memory_space<vmem>>) semaphore(%arg43 : memref<!tpu.dma_semaphore, #tpu.memory_space<semaphore_mem>>)
        %dma_start3A_659 = arith.constant 1 : i32
        %dma_start3A_660 = tpu.memref_slice %arg11[%dma_start3A_659, %mul3A_652] : memref<4x3128xi32, #tpu.memory_space<vmem>> -> memref<1x128xi32, #tpu.memory_space<vmem>>
        %dma_start3A_661 = tpu.memref_squeeze %dma_start3A_660 : memref<1x128xi32, #tpu.memory_space<vmem>> -> memref<128xi32, #tpu.memory_space<vmem>>
        %dma_start3A_662 = arith.constant 0 : i32
        %dma_start3A_663 = arith.constant 0 : i32
        %dma_start3A_664 = tpu.memref_slice %arg7[%dma_start3A_662, %dma_start3A_663] : memref<1024x32xf32, #tpu.memory_space<hbm>> -> memref<1024x32xf32, #tpu.memory_space<hbm>>
        tpu.enqueue_indirect_dma source(%dma_start3A_664 : memref<1024x32xf32, #tpu.memory_space<hbm>>) target(%arg25 : memref<128x32xf32, #tpu.memory_space<vmem>>) offsets(%dma_start3A_661 : memref<128xi32, #tpu.memory_space<vmem>>) semaphore(%arg43 : memref<!tpu.dma_semaphore, #tpu.memory_space<semaphore_mem>>)
        %dma_start3A_665 = arith.constant 2 : i32
        %dma_start3A_666 = tpu.memref_slice %arg11[%dma_start3A_665, %mul3A_652] : memref<4x3128xi32, #tpu.memory_space<vmem>> -> memref<1x128xi32, #tpu.memory_space<vmem>>
        %dma_start3A_667 = tpu.memref_squeeze %dma_start3A_666 : memref<1x128xi32, #tpu.memory_space<vmem>> -> memref<128xi32, #tpu.memory_space<vmem>>
        %dma_start3A_668 = arith.constant 0 : i32
        %dma_start3A_669 = arith.constant 0 : i32
        %dma_start3A_670 = tpu.memref_slice %arg8[%dma_start3A_668, %dma_start3A_669] : memref<16384x32xf32, #tpu.memory_space<hbm>> -> memref<16384x32xf32, #tpu.memory_space<hbm>>
        tpu.enqueue_indirect_dma source(%dma_start3A_670 : memref<16384x32xf32, #tpu.memory_space<hbm>>) target(%arg26 : memref<128x32xf32, #tpu.memory_space<vmem>>) offsets(%dma_start3A_667 : memref<128xi32, #tpu.memory_space<vmem>>) semaphore(%arg43 : memref<!tpu.dma_semaphore, #tpu.memory_space<semaphore_mem>>)
        %dma_start3A_671 = arith.constant 3 : i32
        %dma_start3A_672 = tpu.memref_slice %arg11[%dma_start3A_671, %mul3A_652] : memref<4x3128xi32, #tpu.memory_space<vmem>> -> memref<1x128xi32, #tpu.memory_space<vmem>>
        %dma_start3A_673 = tpu.memref_squeeze %dma_start3A_672 : memref<1x128xi32, #tpu.memory_space<vmem>> -> memref<128xi32, #tpu.memory_space<vmem>>
        %dma_start3A_674 = arith.constant 0 : i32
        %dma_start3A_675 = arith.constant 0 : i32
        %dma_start3A_676 = tpu.memref_slice %arg9[%dma_start3A_674, %dma_start3A_675] : memref<100000x48xf32, #tpu.memory_space<hbm>> -> memref<100000x48xf32, #tpu.memory_space<hbm>>
        tpu.enqueue_indirect_dma source(%dma_start3A_676 : memref<100000x48xf32, #tpu.memory_space<hbm>>) target(%arg27 : memref<128x48xf32, #tpu.memory_space<vmem>>) offsets(%dma_start3A_673 : memref<128xi32, #tpu.memory_space<vmem>>) semaphore(%arg43 : memref<!tpu.dma_semaphore, #tpu.memory_space<semaphore_mem>>)
      } else {
      }
      %mul3A_360 = arith.constant 6 : i32
      %mul3A_361 = arith.muli %add3A_305, %mul3A_360 : i32
      %add3A_362 = arith.constant 1 : i32
      %add3A_363 = arith.addi %mul3A_361, %add3A_362 : i32
      %mul3A_364 = arith.constant 128 : i32
      %mul3A_365 = arith.muli %add3A_363, %mul3A_364 : i32
      %dma_wait3A_366 = arith.constant 0 : i32
      %dma_wait3A_367 = tpu.memref_slice %arg11[%dma_wait3A_366, %mul3A_365] : memref<4x3128xi32, #tpu.memory_space<vmem>> -> memref<1x128xi32, #tpu.memory_space<vmem>>
      %dma_wait3A_368 = tpu.memref_squeeze %dma_wait3A_367 : memref<1x128xi32, #tpu.memory_space<vmem>> -> memref<128xi32, #tpu.memory_space<vmem>>
      %dma_wait3A_369 = arith.constant 0 : i32
      %dma_wait3A_370 = arith.constant 0 : i32
      %dma_wait3A_371 = tpu.memref_slice %arg6[%dma_wait3A_369, %dma_wait3A_370] : memref<128x16xf32, #tpu.memory_space<hbm>> -> memref<128x16xf32, #tpu.memory_space<hbm>>
      tpu.wait_indirect_dma semaphore(%arg41 : memref<!tpu.dma_semaphore, #tpu.memory_space<semaphore_mem>>) src(%dma_wait3A_371 : memref<128x16xf32, #tpu.memory_space<hbm>>) dst(%arg16 : memref<128x16xf32, #tpu.memory_space<vmem>>)
      %dma_wait3A_372 = arith.constant 1 : i32
      %dma_wait3A_373 = tpu.memref_slice %arg11[%dma_wait3A_372, %mul3A_365] : memref<4x3128xi32, #tpu.memory_space<vmem>> -> memref<1x128xi32, #tpu.memory_space<vmem>>
      %dma_wait3A_374 = tpu.memref_squeeze %dma_wait3A_373 : memref<1x128xi32, #tpu.memory_space<vmem>> -> memref<128xi32, #tpu.memory_space<vmem>>
      %dma_wait3A_375 = arith.constant 0 : i32
      %dma_wait3A_376 = arith.constant 0 : i32
      %dma_wait3A_377 = tpu.memref_slice %arg7[%dma_wait3A_375, %dma_wait3A_376] : memref<1024x32xf32, #tpu.memory_space<hbm>> -> memref<1024x32xf32, #tpu.memory_space<hbm>>
      tpu.wait_indirect_dma semaphore(%arg41 : memref<!tpu.dma_semaphore, #tpu.memory_space<semaphore_mem>>) src(%dma_wait3A_377 : memref<1024x32xf32, #tpu.memory_space<hbm>>) dst(%arg17 : memref<128x32xf32, #tpu.memory_space<vmem>>)
      %dma_wait3A_378 = arith.constant 2 : i32
      %dma_wait3A_379 = tpu.memref_slice %arg11[%dma_wait3A_378, %mul3A_365] : memref<4x3128xi32, #tpu.memory_space<vmem>> -> memref<1x128xi32, #tpu.memory_space<vmem>>
      %dma_wait3A_380 = tpu.memref_squeeze %dma_wait3A_379 : memref<1x128xi32, #tpu.memory_space<vmem>> -> memref<128xi32, #tpu.memory_space<vmem>>
      %dma_wait3A_381 = arith.constant 0 : i32
      %dma_wait3A_382 = arith.constant 0 : i32
      %dma_wait3A_383 = tpu.memref_slice %arg8[%dma_wait3A_381, %dma_wait3A_382] : memref<16384x32xf32, #tpu.memory_space<hbm>> -> memref<16384x32xf32, #tpu.memory_space<hbm>>
      tpu.wait_indirect_dma semaphore(%arg41 : memref<!tpu.dma_semaphore, #tpu.memory_space<semaphore_mem>>) src(%dma_wait3A_383 : memref<16384x32xf32, #tpu.memory_space<hbm>>) dst(%arg18 : memref<128x32xf32, #tpu.memory_space<vmem>>)
      %dma_wait3A_384 = arith.constant 3 : i32
      %dma_wait3A_385 = tpu.memref_slice %arg11[%dma_wait3A_384, %mul3A_365] : memref<4x3128xi32, #tpu.memory_space<vmem>> -> memref<1x128xi32, #tpu.memory_space<vmem>>
      %dma_wait3A_386 = tpu.memref_squeeze %dma_wait3A_385 : memref<1x128xi32, #tpu.memory_space<vmem>> -> memref<128xi32, #tpu.memory_space<vmem>>
      %dma_wait3A_387 = arith.constant 0 : i32
      %dma_wait3A_388 = arith.constant 0 : i32
      %dma_wait3A_389 = tpu.memref_slice %arg9[%dma_wait3A_387, %dma_wait3A_388] : memref<100000x48xf32, #tpu.memory_space<hbm>> -> memref<100000x48xf32, #tpu.memory_space<hbm>>
      tpu.wait_indirect_dma semaphore(%arg41 : memref<!tpu.dma_semaphore, #tpu.memory_space<semaphore_mem>>) src(%dma_wait3A_389 : memref<100000x48xf32, #tpu.memory_space<hbm>>) dst(%arg19 : memref<128x48xf32, #tpu.memory_space<vmem>>)
      %add3A_390 = arith.addi %min3A_3, %mul3A_365 : i32
      %dma_start3A_391 = arith.constant 0 : i32
      %dma_start3A_392 = tpu.memref_slice %arg10[%add3A_390, %dma_start3A_391] : memref<100000x128xf32, #tpu.memory_space<hbm>> -> memref<128x16xf32, #tpu.memory_space<hbm>>
      %dma_start3A_393 = arith.constant 0 : i32
      %dma_start3A_394 = tpu.memref_slice %arg10[%add3A_390, %dma_start3A_393] : memref<100000x128xf32, #tpu.memory_space<hbm>> -> memref<128x16xf32, #tpu.memory_space<hbm>>
      tpu.enqueue_dma source(%arg16 : memref<128x16xf32, #tpu.memory_space<vmem>>) target(%dma_start3A_394 : memref<128x16xf32, #tpu.memory_space<hbm>>) target_semaphore(%arg47 : memref<!tpu.dma_semaphore, #tpu.memory_space<semaphore_mem>>)
      %add3A_395 = arith.addi %min3A_3, %mul3A_365 : i32
      %dma_start3A_396 = arith.constant 16 : i32
      %dma_start3A_397 = tpu.memref_slice %arg10[%add3A_395, %dma_start3A_396] : memref<100000x128xf32, #tpu.memory_space<hbm>> -> memref<128x32xf32, #tpu.memory_space<hbm>>
      %dma_start3A_398 = arith.constant 16 : i32
      %dma_start3A_399 = tpu.memref_slice %arg10[%add3A_395, %dma_start3A_398] : memref<100000x128xf32, #tpu.memory_space<hbm>> -> memref<128x32xf32, #tpu.memory_space<hbm>>
      tpu.enqueue_dma source(%arg17 : memref<128x32xf32, #tpu.memory_space<vmem>>) target(%dma_start3A_399 : memref<128x32xf32, #tpu.memory_space<hbm>>) target_semaphore(%arg47 : memref<!tpu.dma_semaphore, #tpu.memory_space<semaphore_mem>>)
      %add3A_400 = arith.addi %min3A_3, %mul3A_365 : i32
      %dma_start3A_401 = arith.constant 48 : i32
      %dma_start3A_402 = tpu.memref_slice %arg10[%add3A_400, %dma_start3A_401] : memref<100000x128xf32, #tpu.memory_space<hbm>> -> memref<128x32xf32, #tpu.memory_space<hbm>>
      %dma_start3A_403 = arith.constant 48 : i32
      %dma_start3A_404 = tpu.memref_slice %arg10[%add3A_400, %dma_start3A_403] : memref<100000x128xf32, #tpu.memory_space<hbm>> -> memref<128x32xf32, #tpu.memory_space<hbm>>
      tpu.enqueue_dma source(%arg18 : memref<128x32xf32, #tpu.memory_space<vmem>>) target(%dma_start3A_404 : memref<128x32xf32, #tpu.memory_space<hbm>>) target_semaphore(%arg47 : memref<!tpu.dma_semaphore, #tpu.memory_space<semaphore_mem>>)
      %add3A_405 = arith.addi %min3A_3, %mul3A_365 : i32
      %dma_start3A_406 = arith.constant 80 : i32
      %dma_start3A_407 = tpu.memref_slice %arg10[%add3A_405, %dma_start3A_406] : memref<100000x128xf32, #tpu.memory_space<hbm>> -> memref<128x48xf32, #tpu.memory_space<hbm>>
      %dma_start3A_408 = arith.constant 80 : i32
      %dma_start3A_409 = tpu.memref_slice %arg10[%add3A_405, %dma_start3A_408] : memref<100000x128xf32, #tpu.memory_space<hbm>> -> memref<128x48xf32, #tpu.memory_space<hbm>>
      tpu.enqueue_dma source(%arg19 : memref<128x48xf32, #tpu.memory_space<vmem>>) target(%dma_start3A_409 : memref<128x48xf32, #tpu.memory_space<hbm>>) target_semaphore(%arg47 : memref<!tpu.dma_semaphore, #tpu.memory_space<semaphore_mem>>)
      %add3A_410 = arith.constant 3 : i32
      %add3A_411 = arith.addi %add3A_363, %add3A_410 : i32
      %lt3A_412 = arith.constant 24 : i32
      %lt3A_413 = arith.cmpi slt, %add3A_411, %lt3A_412 : i32
      %convert_element_type3A_414 = arith.extui %lt3A_413 : i1 to i32
      %cond3A_415 = arith.constant 0 : i32
      %cond3A_416 = arith.cmpi ne, %convert_element_type3A_414, %cond3A_415 : i32
      scf.if %cond3A_416 {
        %ge3A = arith.constant 3 : i32
        %ge3A_645 = arith.cmpi sge, %add3A_363, %ge3A : i32
        %convert_element_type3A_646 = arith.extui %ge3A_645 : i1 to i32
        %cond3A_647 = arith.constant 0 : i32
        %cond3A_648 = arith.cmpi ne, %convert_element_type3A_646, %cond3A_647 : i32
        scf.if %cond3A_648 {
          %sub3A = arith.constant 3 : i32
          %sub3A_677 = arith.subi %add3A_363, %sub3A : i32
          %mul3A_678 = arith.constant 128 : i32
          %mul3A_679 = arith.muli %sub3A_677, %mul3A_678 : i32
          %add3A_680 = arith.addi %min3A_3, %mul3A_679 : i32
          %dma_wait3A_681 = arith.constant 0 : i32
          %dma_wait3A_682 = tpu.memref_slice %arg10[%add3A_680, %dma_wait3A_681] : memref<100000x128xf32, #tpu.memory_space<hbm>> -> memref<128x16xf32, #tpu.memory_space<hbm>>
          %dma_wait3A_683 = arith.constant 0 : i32
          %dma_wait3A_684 = tpu.memref_slice %arg10[%add3A_680, %dma_wait3A_683] : memref<100000x128xf32, #tpu.memory_space<hbm>> -> memref<128x16xf32, #tpu.memory_space<hbm>>
          tpu.wait_dma2 semaphore(%arg50 : memref<!tpu.dma_semaphore, #tpu.memory_space<semaphore_mem>>) src(%arg28 : memref<128x16xf32, #tpu.memory_space<vmem>>) dst(%dma_wait3A_684 : memref<128x16xf32, #tpu.memory_space<hbm>>)
          %add3A_685 = arith.addi %min3A_3, %mul3A_679 : i32
          %dma_wait3A_686 = arith.constant 16 : i32
          %dma_wait3A_687 = tpu.memref_slice %arg10[%add3A_685, %dma_wait3A_686] : memref<100000x128xf32, #tpu.memory_space<hbm>> -> memref<128x32xf32, #tpu.memory_space<hbm>>
          %dma_wait3A_688 = arith.constant 16 : i32
          %dma_wait3A_689 = tpu.memref_slice %arg10[%add3A_685, %dma_wait3A_688] : memref<100000x128xf32, #tpu.memory_space<hbm>> -> memref<128x32xf32, #tpu.memory_space<hbm>>
          tpu.wait_dma2 semaphore(%arg50 : memref<!tpu.dma_semaphore, #tpu.memory_space<semaphore_mem>>) src(%arg29 : memref<128x32xf32, #tpu.memory_space<vmem>>) dst(%dma_wait3A_689 : memref<128x32xf32, #tpu.memory_space<hbm>>)
          %add3A_690 = arith.addi %min3A_3, %mul3A_679 : i32
          %dma_wait3A_691 = arith.constant 48 : i32
          %dma_wait3A_692 = tpu.memref_slice %arg10[%add3A_690, %dma_wait3A_691] : memref<100000x128xf32, #tpu.memory_space<hbm>> -> memref<128x32xf32, #tpu.memory_space<hbm>>
          %dma_wait3A_693 = arith.constant 48 : i32
          %dma_wait3A_694 = tpu.memref_slice %arg10[%add3A_690, %dma_wait3A_693] : memref<100000x128xf32, #tpu.memory_space<hbm>> -> memref<128x32xf32, #tpu.memory_space<hbm>>
          tpu.wait_dma2 semaphore(%arg50 : memref<!tpu.dma_semaphore, #tpu.memory_space<semaphore_mem>>) src(%arg30 : memref<128x32xf32, #tpu.memory_space<vmem>>) dst(%dma_wait3A_694 : memref<128x32xf32, #tpu.memory_space<hbm>>)
          %add3A_695 = arith.addi %min3A_3, %mul3A_679 : i32
          %dma_wait3A_696 = arith.constant 80 : i32
          %dma_wait3A_697 = tpu.memref_slice %arg10[%add3A_695, %dma_wait3A_696] : memref<100000x128xf32, #tpu.memory_space<hbm>> -> memref<128x48xf32, #tpu.memory_space<hbm>>
          %dma_wait3A_698 = arith.constant 80 : i32
          %dma_wait3A_699 = tpu.memref_slice %arg10[%add3A_695, %dma_wait3A_698] : memref<100000x128xf32, #tpu.memory_space<hbm>> -> memref<128x48xf32, #tpu.memory_space<hbm>>
          tpu.wait_dma2 semaphore(%arg50 : memref<!tpu.dma_semaphore, #tpu.memory_space<semaphore_mem>>) src(%arg31 : memref<128x48xf32, #tpu.memory_space<vmem>>) dst(%dma_wait3A_699 : memref<128x48xf32, #tpu.memory_space<hbm>>)
        } else {
        }
        %add3A_649 = arith.constant 3 : i32
        %add3A_650 = arith.addi %add3A_363, %add3A_649 : i32
        %mul3A_651 = arith.constant 128 : i32
        %mul3A_652 = arith.muli %add3A_650, %mul3A_651 : i32
        %dma_start3A_653 = arith.constant 0 : i32
        %dma_start3A_654 = tpu.memref_slice %arg11[%dma_start3A_653, %mul3A_652] : memref<4x3128xi32, #tpu.memory_space<vmem>> -> memref<1x128xi32, #tpu.memory_space<vmem>>
        %dma_start3A_655 = tpu.memref_squeeze %dma_start3A_654 : memref<1x128xi32, #tpu.memory_space<vmem>> -> memref<128xi32, #tpu.memory_space<vmem>>
        %dma_start3A_656 = arith.constant 0 : i32
        %dma_start3A_657 = arith.constant 0 : i32
        %dma_start3A_658 = tpu.memref_slice %arg6[%dma_start3A_656, %dma_start3A_657] : memref<128x16xf32, #tpu.memory_space<hbm>> -> memref<128x16xf32, #tpu.memory_space<hbm>>
        tpu.enqueue_indirect_dma source(%dma_start3A_658 : memref<128x16xf32, #tpu.memory_space<hbm>>) target(%arg28 : memref<128x16xf32, #tpu.memory_space<vmem>>) offsets(%dma_start3A_655 : memref<128xi32, #tpu.memory_space<vmem>>) semaphore(%arg44 : memref<!tpu.dma_semaphore, #tpu.memory_space<semaphore_mem>>)
        %dma_start3A_659 = arith.constant 1 : i32
        %dma_start3A_660 = tpu.memref_slice %arg11[%dma_start3A_659, %mul3A_652] : memref<4x3128xi32, #tpu.memory_space<vmem>> -> memref<1x128xi32, #tpu.memory_space<vmem>>
        %dma_start3A_661 = tpu.memref_squeeze %dma_start3A_660 : memref<1x128xi32, #tpu.memory_space<vmem>> -> memref<128xi32, #tpu.memory_space<vmem>>
        %dma_start3A_662 = arith.constant 0 : i32
        %dma_start3A_663 = arith.constant 0 : i32
        %dma_start3A_664 = tpu.memref_slice %arg7[%dma_start3A_662, %dma_start3A_663] : memref<1024x32xf32, #tpu.memory_space<hbm>> -> memref<1024x32xf32, #tpu.memory_space<hbm>>
        tpu.enqueue_indirect_dma source(%dma_start3A_664 : memref<1024x32xf32, #tpu.memory_space<hbm>>) target(%arg29 : memref<128x32xf32, #tpu.memory_space<vmem>>) offsets(%dma_start3A_661 : memref<128xi32, #tpu.memory_space<vmem>>) semaphore(%arg44 : memref<!tpu.dma_semaphore, #tpu.memory_space<semaphore_mem>>)
        %dma_start3A_665 = arith.constant 2 : i32
        %dma_start3A_666 = tpu.memref_slice %arg11[%dma_start3A_665, %mul3A_652] : memref<4x3128xi32, #tpu.memory_space<vmem>> -> memref<1x128xi32, #tpu.memory_space<vmem>>
        %dma_start3A_667 = tpu.memref_squeeze %dma_start3A_666 : memref<1x128xi32, #tpu.memory_space<vmem>> -> memref<128xi32, #tpu.memory_space<vmem>>
        %dma_start3A_668 = arith.constant 0 : i32
        %dma_start3A_669 = arith.constant 0 : i32
        %dma_start3A_670 = tpu.memref_slice %arg8[%dma_start3A_668, %dma_start3A_669] : memref<16384x32xf32, #tpu.memory_space<hbm>> -> memref<16384x32xf32, #tpu.memory_space<hbm>>
        tpu.enqueue_indirect_dma source(%dma_start3A_670 : memref<16384x32xf32, #tpu.memory_space<hbm>>) target(%arg30 : memref<128x32xf32, #tpu.memory_space<vmem>>) offsets(%dma_start3A_667 : memref<128xi32, #tpu.memory_space<vmem>>) semaphore(%arg44 : memref<!tpu.dma_semaphore, #tpu.memory_space<semaphore_mem>>)
        %dma_start3A_671 = arith.constant 3 : i32
        %dma_start3A_672 = tpu.memref_slice %arg11[%dma_start3A_671, %mul3A_652] : memref<4x3128xi32, #tpu.memory_space<vmem>> -> memref<1x128xi32, #tpu.memory_space<vmem>>
        %dma_start3A_673 = tpu.memref_squeeze %dma_start3A_672 : memref<1x128xi32, #tpu.memory_space<vmem>> -> memref<128xi32, #tpu.memory_space<vmem>>
        %dma_start3A_674 = arith.constant 0 : i32
        %dma_start3A_675 = arith.constant 0 : i32
        %dma_start3A_676 = tpu.memref_slice %arg9[%dma_start3A_674, %dma_start3A_675] : memref<100000x48xf32, #tpu.memory_space<hbm>> -> memref<100000x48xf32, #tpu.memory_space<hbm>>
        tpu.enqueue_indirect_dma source(%dma_start3A_676 : memref<100000x48xf32, #tpu.memory_space<hbm>>) target(%arg31 : memref<128x48xf32, #tpu.memory_space<vmem>>) offsets(%dma_start3A_673 : memref<128xi32, #tpu.memory_space<vmem>>) semaphore(%arg44 : memref<!tpu.dma_semaphore, #tpu.memory_space<semaphore_mem>>)
      } else {
      }
      %mul3A_417 = arith.constant 6 : i32
      %mul3A_418 = arith.muli %add3A_305, %mul3A_417 : i32
      %add3A_419 = arith.constant 2 : i32
      %add3A_420 = arith.addi %mul3A_418, %add3A_419 : i32
      %mul3A_421 = arith.constant 128 : i32
      %mul3A_422 = arith.muli %add3A_420, %mul3A_421 : i32
      %dma_wait3A_423 = arith.constant 0 : i32
      %dma_wait3A_424 = tpu.memref_slice %arg11[%dma_wait3A_423, %mul3A_422] : memref<4x3128xi32, #tpu.memory_space<vmem>> -> memref<1x128xi32, #tpu.memory_space<vmem>>
      %dma_wait3A_425 = tpu.memref_squeeze %dma_wait3A_424 : memref<1x128xi32, #tpu.memory_space<vmem>> -> memref<128xi32, #tpu.memory_space<vmem>>
      %dma_wait3A_426 = arith.constant 0 : i32
      %dma_wait3A_427 = arith.constant 0 : i32
      %dma_wait3A_428 = tpu.memref_slice %arg6[%dma_wait3A_426, %dma_wait3A_427] : memref<128x16xf32, #tpu.memory_space<hbm>> -> memref<128x16xf32, #tpu.memory_space<hbm>>
      tpu.wait_indirect_dma semaphore(%arg42 : memref<!tpu.dma_semaphore, #tpu.memory_space<semaphore_mem>>) src(%dma_wait3A_428 : memref<128x16xf32, #tpu.memory_space<hbm>>) dst(%arg20 : memref<128x16xf32, #tpu.memory_space<vmem>>)
      %dma_wait3A_429 = arith.constant 1 : i32
      %dma_wait3A_430 = tpu.memref_slice %arg11[%dma_wait3A_429, %mul3A_422] : memref<4x3128xi32, #tpu.memory_space<vmem>> -> memref<1x128xi32, #tpu.memory_space<vmem>>
      %dma_wait3A_431 = tpu.memref_squeeze %dma_wait3A_430 : memref<1x128xi32, #tpu.memory_space<vmem>> -> memref<128xi32, #tpu.memory_space<vmem>>
      %dma_wait3A_432 = arith.constant 0 : i32
      %dma_wait3A_433 = arith.constant 0 : i32
      %dma_wait3A_434 = tpu.memref_slice %arg7[%dma_wait3A_432, %dma_wait3A_433] : memref<1024x32xf32, #tpu.memory_space<hbm>> -> memref<1024x32xf32, #tpu.memory_space<hbm>>
      tpu.wait_indirect_dma semaphore(%arg42 : memref<!tpu.dma_semaphore, #tpu.memory_space<semaphore_mem>>) src(%dma_wait3A_434 : memref<1024x32xf32, #tpu.memory_space<hbm>>) dst(%arg21 : memref<128x32xf32, #tpu.memory_space<vmem>>)
      %dma_wait3A_435 = arith.constant 2 : i32
      %dma_wait3A_436 = tpu.memref_slice %arg11[%dma_wait3A_435, %mul3A_422] : memref<4x3128xi32, #tpu.memory_space<vmem>> -> memref<1x128xi32, #tpu.memory_space<vmem>>
      %dma_wait3A_437 = tpu.memref_squeeze %dma_wait3A_436 : memref<1x128xi32, #tpu.memory_space<vmem>> -> memref<128xi32, #tpu.memory_space<vmem>>
      %dma_wait3A_438 = arith.constant 0 : i32
      %dma_wait3A_439 = arith.constant 0 : i32
      %dma_wait3A_440 = tpu.memref_slice %arg8[%dma_wait3A_438, %dma_wait3A_439] : memref<16384x32xf32, #tpu.memory_space<hbm>> -> memref<16384x32xf32, #tpu.memory_space<hbm>>
      tpu.wait_indirect_dma semaphore(%arg42 : memref<!tpu.dma_semaphore, #tpu.memory_space<semaphore_mem>>) src(%dma_wait3A_440 : memref<16384x32xf32, #tpu.memory_space<hbm>>) dst(%arg22 : memref<128x32xf32, #tpu.memory_space<vmem>>)
      %dma_wait3A_441 = arith.constant 3 : i32
      %dma_wait3A_442 = tpu.memref_slice %arg11[%dma_wait3A_441, %mul3A_422] : memref<4x3128xi32, #tpu.memory_space<vmem>> -> memref<1x128xi32, #tpu.memory_space<vmem>>
      %dma_wait3A_443 = tpu.memref_squeeze %dma_wait3A_442 : memref<1x128xi32, #tpu.memory_space<vmem>> -> memref<128xi32, #tpu.memory_space<vmem>>
      %dma_wait3A_444 = arith.constant 0 : i32
      %dma_wait3A_445 = arith.constant 0 : i32
      %dma_wait3A_446 = tpu.memref_slice %arg9[%dma_wait3A_444, %dma_wait3A_445] : memref<100000x48xf32, #tpu.memory_space<hbm>> -> memref<100000x48xf32, #tpu.memory_space<hbm>>
      tpu.wait_indirect_dma semaphore(%arg42 : memref<!tpu.dma_semaphore, #tpu.memory_space<semaphore_mem>>) src(%dma_wait3A_446 : memref<100000x48xf32, #tpu.memory_space<hbm>>) dst(%arg23 : memref<128x48xf32, #tpu.memory_space<vmem>>)
      %add3A_447 = arith.addi %min3A_3, %mul3A_422 : i32
      %dma_start3A_448 = arith.constant 0 : i32
      %dma_start3A_449 = tpu.memref_slice %arg10[%add3A_447, %dma_start3A_448] : memref<100000x128xf32, #tpu.memory_space<hbm>> -> memref<128x16xf32, #tpu.memory_space<hbm>>
      %dma_start3A_450 = arith.constant 0 : i32
      %dma_start3A_451 = tpu.memref_slice %arg10[%add3A_447, %dma_start3A_450] : memref<100000x128xf32, #tpu.memory_space<hbm>> -> memref<128x16xf32, #tpu.memory_space<hbm>>
      tpu.enqueue_dma source(%arg20 : memref<128x16xf32, #tpu.memory_space<vmem>>) target(%dma_start3A_451 : memref<128x16xf32, #tpu.memory_space<hbm>>) target_semaphore(%arg48 : memref<!tpu.dma_semaphore, #tpu.memory_space<semaphore_mem>>)
      %add3A_452 = arith.addi %min3A_3, %mul3A_422 : i32
      %dma_start3A_453 = arith.constant 16 : i32
      %dma_start3A_454 = tpu.memref_slice %arg10[%add3A_452, %dma_start3A_453] : memref<100000x128xf32, #tpu.memory_space<hbm>> -> memref<128x32xf32, #tpu.memory_space<hbm>>
      %dma_start3A_455 = arith.constant 16 : i32
      %dma_start3A_456 = tpu.memref_slice %arg10[%add3A_452, %dma_start3A_455] : memref<100000x128xf32, #tpu.memory_space<hbm>> -> memref<128x32xf32, #tpu.memory_space<hbm>>
      tpu.enqueue_dma source(%arg21 : memref<128x32xf32, #tpu.memory_space<vmem>>) target(%dma_start3A_456 : memref<128x32xf32, #tpu.memory_space<hbm>>) target_semaphore(%arg48 : memref<!tpu.dma_semaphore, #tpu.memory_space<semaphore_mem>>)
      %add3A_457 = arith.addi %min3A_3, %mul3A_422 : i32
      %dma_start3A_458 = arith.constant 48 : i32
      %dma_start3A_459 = tpu.memref_slice %arg10[%add3A_457, %dma_start3A_458] : memref<100000x128xf32, #tpu.memory_space<hbm>> -> memref<128x32xf32, #tpu.memory_space<hbm>>
      %dma_start3A_460 = arith.constant 48 : i32
      %dma_start3A_461 = tpu.memref_slice %arg10[%add3A_457, %dma_start3A_460] : memref<100000x128xf32, #tpu.memory_space<hbm>> -> memref<128x32xf32, #tpu.memory_space<hbm>>
      tpu.enqueue_dma source(%arg22 : memref<128x32xf32, #tpu.memory_space<vmem>>) target(%dma_start3A_461 : memref<128x32xf32, #tpu.memory_space<hbm>>) target_semaphore(%arg48 : memref<!tpu.dma_semaphore, #tpu.memory_space<semaphore_mem>>)
      %add3A_462 = arith.addi %min3A_3, %mul3A_422 : i32
      %dma_start3A_463 = arith.constant 80 : i32
      %dma_start3A_464 = tpu.memref_slice %arg10[%add3A_462, %dma_start3A_463] : memref<100000x128xf32, #tpu.memory_space<hbm>> -> memref<128x48xf32, #tpu.memory_space<hbm>>
      %dma_start3A_465 = arith.constant 80 : i32
      %dma_start3A_466 = tpu.memref_slice %arg10[%add3A_462, %dma_start3A_465] : memref<100000x128xf32, #tpu.memory_space<hbm>> -> memref<128x48xf32, #tpu.memory_space<hbm>>
      tpu.enqueue_dma source(%arg23 : memref<128x48xf32, #tpu.memory_space<vmem>>) target(%dma_start3A_466 : memref<128x48xf32, #tpu.memory_space<hbm>>) target_semaphore(%arg48 : memref<!tpu.dma_semaphore, #tpu.memory_space<semaphore_mem>>)
      %add3A_467 = arith.constant 3 : i32
      %add3A_468 = arith.addi %add3A_420, %add3A_467 : i32
      %lt3A_469 = arith.constant 24 : i32
      %lt3A_470 = arith.cmpi slt, %add3A_468, %lt3A_469 : i32
      %convert_element_type3A_471 = arith.extui %lt3A_470 : i1 to i32
      %cond3A_472 = arith.constant 0 : i32
      %cond3A_473 = arith.cmpi ne, %convert_element_type3A_471, %cond3A_472 : i32
      scf.if %cond3A_473 {
        %ge3A = arith.constant 3 : i32
        %ge3A_645 = arith.cmpi sge, %add3A_420, %ge3A : i32
        %convert_element_type3A_646 = arith.extui %ge3A_645 : i1 to i32
        %cond3A_647 = arith.constant 0 : i32
        %cond3A_648 = arith.cmpi ne, %convert_element_type3A_646, %cond3A_647 : i32
        scf.if %cond3A_648 {
          %sub3A = arith.constant 3 : i32
          %sub3A_677 = arith.subi %add3A_420, %sub3A : i32
          %mul3A_678 = arith.constant 128 : i32
          %mul3A_679 = arith.muli %sub3A_677, %mul3A_678 : i32
          %add3A_680 = arith.addi %min3A_3, %mul3A_679 : i32
          %dma_wait3A_681 = arith.constant 0 : i32
          %dma_wait3A_682 = tpu.memref_slice %arg10[%add3A_680, %dma_wait3A_681] : memref<100000x128xf32, #tpu.memory_space<hbm>> -> memref<128x16xf32, #tpu.memory_space<hbm>>
          %dma_wait3A_683 = arith.constant 0 : i32
          %dma_wait3A_684 = tpu.memref_slice %arg10[%add3A_680, %dma_wait3A_683] : memref<100000x128xf32, #tpu.memory_space<hbm>> -> memref<128x16xf32, #tpu.memory_space<hbm>>
          tpu.wait_dma2 semaphore(%arg51 : memref<!tpu.dma_semaphore, #tpu.memory_space<semaphore_mem>>) src(%arg32 : memref<128x16xf32, #tpu.memory_space<vmem>>) dst(%dma_wait3A_684 : memref<128x16xf32, #tpu.memory_space<hbm>>)
          %add3A_685 = arith.addi %min3A_3, %mul3A_679 : i32
          %dma_wait3A_686 = arith.constant 16 : i32
          %dma_wait3A_687 = tpu.memref_slice %arg10[%add3A_685, %dma_wait3A_686] : memref<100000x128xf32, #tpu.memory_space<hbm>> -> memref<128x32xf32, #tpu.memory_space<hbm>>
          %dma_wait3A_688 = arith.constant 16 : i32
          %dma_wait3A_689 = tpu.memref_slice %arg10[%add3A_685, %dma_wait3A_688] : memref<100000x128xf32, #tpu.memory_space<hbm>> -> memref<128x32xf32, #tpu.memory_space<hbm>>
          tpu.wait_dma2 semaphore(%arg51 : memref<!tpu.dma_semaphore, #tpu.memory_space<semaphore_mem>>) src(%arg33 : memref<128x32xf32, #tpu.memory_space<vmem>>) dst(%dma_wait3A_689 : memref<128x32xf32, #tpu.memory_space<hbm>>)
          %add3A_690 = arith.addi %min3A_3, %mul3A_679 : i32
          %dma_wait3A_691 = arith.constant 48 : i32
          %dma_wait3A_692 = tpu.memref_slice %arg10[%add3A_690, %dma_wait3A_691] : memref<100000x128xf32, #tpu.memory_space<hbm>> -> memref<128x32xf32, #tpu.memory_space<hbm>>
          %dma_wait3A_693 = arith.constant 48 : i32
          %dma_wait3A_694 = tpu.memref_slice %arg10[%add3A_690, %dma_wait3A_693] : memref<100000x128xf32, #tpu.memory_space<hbm>> -> memref<128x32xf32, #tpu.memory_space<hbm>>
          tpu.wait_dma2 semaphore(%arg51 : memref<!tpu.dma_semaphore, #tpu.memory_space<semaphore_mem>>) src(%arg34 : memref<128x32xf32, #tpu.memory_space<vmem>>) dst(%dma_wait3A_694 : memref<128x32xf32, #tpu.memory_space<hbm>>)
          %add3A_695 = arith.addi %min3A_3, %mul3A_679 : i32
          %dma_wait3A_696 = arith.constant 80 : i32
          %dma_wait3A_697 = tpu.memref_slice %arg10[%add3A_695, %dma_wait3A_696] : memref<100000x128xf32, #tpu.memory_space<hbm>> -> memref<128x48xf32, #tpu.memory_space<hbm>>
          %dma_wait3A_698 = arith.constant 80 : i32
          %dma_wait3A_699 = tpu.memref_slice %arg10[%add3A_695, %dma_wait3A_698] : memref<100000x128xf32, #tpu.memory_space<hbm>> -> memref<128x48xf32, #tpu.memory_space<hbm>>
          tpu.wait_dma2 semaphore(%arg51 : memref<!tpu.dma_semaphore, #tpu.memory_space<semaphore_mem>>) src(%arg35 : memref<128x48xf32, #tpu.memory_space<vmem>>) dst(%dma_wait3A_699 : memref<128x48xf32, #tpu.memory_space<hbm>>)
        } else {
        }
        %add3A_649 = arith.constant 3 : i32
        %add3A_650 = arith.addi %add3A_420, %add3A_649 : i32
        %mul3A_651 = arith.constant 128 : i32
        %mul3A_652 = arith.muli %add3A_650, %mul3A_651 : i32
        %dma_start3A_653 = arith.constant 0 : i32
        %dma_start3A_654 = tpu.memref_slice %arg11[%dma_start3A_653, %mul3A_652] : memref<4x3128xi32, #tpu.memory_space<vmem>> -> memref<1x128xi32, #tpu.memory_space<vmem>>
        %dma_start3A_655 = tpu.memref_squeeze %dma_start3A_654 : memref<1x128xi32, #tpu.memory_space<vmem>> -> memref<128xi32, #tpu.memory_space<vmem>>
        %dma_start3A_656 = arith.constant 0 : i32
        %dma_start3A_657 = arith.constant 0 : i32
        %dma_start3A_658 = tpu.memref_slice %arg6[%dma_start3A_656, %dma_start3A_657] : memref<128x16xf32, #tpu.memory_space<hbm>> -> memref<128x16xf32, #tpu.memory_space<hbm>>
        tpu.enqueue_indirect_dma source(%dma_start3A_658 : memref<128x16xf32, #tpu.memory_space<hbm>>) target(%arg32 : memref<128x16xf32, #tpu.memory_space<vmem>>) offsets(%dma_start3A_655 : memref<128xi32, #tpu.memory_space<vmem>>) semaphore(%arg45 : memref<!tpu.dma_semaphore, #tpu.memory_space<semaphore_mem>>)
        %dma_start3A_659 = arith.constant 1 : i32
        %dma_start3A_660 = tpu.memref_slice %arg11[%dma_start3A_659, %mul3A_652] : memref<4x3128xi32, #tpu.memory_space<vmem>> -> memref<1x128xi32, #tpu.memory_space<vmem>>
        %dma_start3A_661 = tpu.memref_squeeze %dma_start3A_660 : memref<1x128xi32, #tpu.memory_space<vmem>> -> memref<128xi32, #tpu.memory_space<vmem>>
        %dma_start3A_662 = arith.constant 0 : i32
        %dma_start3A_663 = arith.constant 0 : i32
        %dma_start3A_664 = tpu.memref_slice %arg7[%dma_start3A_662, %dma_start3A_663] : memref<1024x32xf32, #tpu.memory_space<hbm>> -> memref<1024x32xf32, #tpu.memory_space<hbm>>
        tpu.enqueue_indirect_dma source(%dma_start3A_664 : memref<1024x32xf32, #tpu.memory_space<hbm>>) target(%arg33 : memref<128x32xf32, #tpu.memory_space<vmem>>) offsets(%dma_start3A_661 : memref<128xi32, #tpu.memory_space<vmem>>) semaphore(%arg45 : memref<!tpu.dma_semaphore, #tpu.memory_space<semaphore_mem>>)
        %dma_start3A_665 = arith.constant 2 : i32
        %dma_start3A_666 = tpu.memref_slice %arg11[%dma_start3A_665, %mul3A_652] : memref<4x3128xi32, #tpu.memory_space<vmem>> -> memref<1x128xi32, #tpu.memory_space<vmem>>
        %dma_start3A_667 = tpu.memref_squeeze %dma_start3A_666 : memref<1x128xi32, #tpu.memory_space<vmem>> -> memref<128xi32, #tpu.memory_space<vmem>>
        %dma_start3A_668 = arith.constant 0 : i32
        %dma_start3A_669 = arith.constant 0 : i32
        %dma_start3A_670 = tpu.memref_slice %arg8[%dma_start3A_668, %dma_start3A_669] : memref<16384x32xf32, #tpu.memory_space<hbm>> -> memref<16384x32xf32, #tpu.memory_space<hbm>>
        tpu.enqueue_indirect_dma source(%dma_start3A_670 : memref<16384x32xf32, #tpu.memory_space<hbm>>) target(%arg34 : memref<128x32xf32, #tpu.memory_space<vmem>>) offsets(%dma_start3A_667 : memref<128xi32, #tpu.memory_space<vmem>>) semaphore(%arg45 : memref<!tpu.dma_semaphore, #tpu.memory_space<semaphore_mem>>)
        %dma_start3A_671 = arith.constant 3 : i32
        %dma_start3A_672 = tpu.memref_slice %arg11[%dma_start3A_671, %mul3A_652] : memref<4x3128xi32, #tpu.memory_space<vmem>> -> memref<1x128xi32, #tpu.memory_space<vmem>>
        %dma_start3A_673 = tpu.memref_squeeze %dma_start3A_672 : memref<1x128xi32, #tpu.memory_space<vmem>> -> memref<128xi32, #tpu.memory_space<vmem>>
        %dma_start3A_674 = arith.constant 0 : i32
        %dma_start3A_675 = arith.constant 0 : i32
        %dma_start3A_676 = tpu.memref_slice %arg9[%dma_start3A_674, %dma_start3A_675] : memref<100000x48xf32, #tpu.memory_space<hbm>> -> memref<100000x48xf32, #tpu.memory_space<hbm>>
        tpu.enqueue_indirect_dma source(%dma_start3A_676 : memref<100000x48xf32, #tpu.memory_space<hbm>>) target(%arg35 : memref<128x48xf32, #tpu.memory_space<vmem>>) offsets(%dma_start3A_673 : memref<128xi32, #tpu.memory_space<vmem>>) semaphore(%arg45 : memref<!tpu.dma_semaphore, #tpu.memory_space<semaphore_mem>>)
      } else {
      }
      %mul3A_474 = arith.constant 6 : i32
      %mul3A_475 = arith.muli %add3A_305, %mul3A_474 : i32
      %add3A_476 = arith.constant 3 : i32
      %add3A_477 = arith.addi %mul3A_475, %add3A_476 : i32
      %mul3A_478 = arith.constant 128 : i32
      %mul3A_479 = arith.muli %add3A_477, %mul3A_478 : i32
      %dma_wait3A_480 = arith.constant 0 : i32
      %dma_wait3A_481 = tpu.memref_slice %arg11[%dma_wait3A_480, %mul3A_479] : memref<4x3128xi32, #tpu.memory_space<vmem>> -> memref<1x128xi32, #tpu.memory_space<vmem>>
      %dma_wait3A_482 = tpu.memref_squeeze %dma_wait3A_481 : memref<1x128xi32, #tpu.memory_space<vmem>> -> memref<128xi32, #tpu.memory_space<vmem>>
      %dma_wait3A_483 = arith.constant 0 : i32
      %dma_wait3A_484 = arith.constant 0 : i32
      %dma_wait3A_485 = tpu.memref_slice %arg6[%dma_wait3A_483, %dma_wait3A_484] : memref<128x16xf32, #tpu.memory_space<hbm>> -> memref<128x16xf32, #tpu.memory_space<hbm>>
      tpu.wait_indirect_dma semaphore(%arg43 : memref<!tpu.dma_semaphore, #tpu.memory_space<semaphore_mem>>) src(%dma_wait3A_485 : memref<128x16xf32, #tpu.memory_space<hbm>>) dst(%arg24 : memref<128x16xf32, #tpu.memory_space<vmem>>)
      %dma_wait3A_486 = arith.constant 1 : i32
      %dma_wait3A_487 = tpu.memref_slice %arg11[%dma_wait3A_486, %mul3A_479] : memref<4x3128xi32, #tpu.memory_space<vmem>> -> memref<1x128xi32, #tpu.memory_space<vmem>>
      %dma_wait3A_488 = tpu.memref_squeeze %dma_wait3A_487 : memref<1x128xi32, #tpu.memory_space<vmem>> -> memref<128xi32, #tpu.memory_space<vmem>>
      %dma_wait3A_489 = arith.constant 0 : i32
      %dma_wait3A_490 = arith.constant 0 : i32
      %dma_wait3A_491 = tpu.memref_slice %arg7[%dma_wait3A_489, %dma_wait3A_490] : memref<1024x32xf32, #tpu.memory_space<hbm>> -> memref<1024x32xf32, #tpu.memory_space<hbm>>
      tpu.wait_indirect_dma semaphore(%arg43 : memref<!tpu.dma_semaphore, #tpu.memory_space<semaphore_mem>>) src(%dma_wait3A_491 : memref<1024x32xf32, #tpu.memory_space<hbm>>) dst(%arg25 : memref<128x32xf32, #tpu.memory_space<vmem>>)
      %dma_wait3A_492 = arith.constant 2 : i32
      %dma_wait3A_493 = tpu.memref_slice %arg11[%dma_wait3A_492, %mul3A_479] : memref<4x3128xi32, #tpu.memory_space<vmem>> -> memref<1x128xi32, #tpu.memory_space<vmem>>
      %dma_wait3A_494 = tpu.memref_squeeze %dma_wait3A_493 : memref<1x128xi32, #tpu.memory_space<vmem>> -> memref<128xi32, #tpu.memory_space<vmem>>
      %dma_wait3A_495 = arith.constant 0 : i32
      %dma_wait3A_496 = arith.constant 0 : i32
      %dma_wait3A_497 = tpu.memref_slice %arg8[%dma_wait3A_495, %dma_wait3A_496] : memref<16384x32xf32, #tpu.memory_space<hbm>> -> memref<16384x32xf32, #tpu.memory_space<hbm>>
      tpu.wait_indirect_dma semaphore(%arg43 : memref<!tpu.dma_semaphore, #tpu.memory_space<semaphore_mem>>) src(%dma_wait3A_497 : memref<16384x32xf32, #tpu.memory_space<hbm>>) dst(%arg26 : memref<128x32xf32, #tpu.memory_space<vmem>>)
      %dma_wait3A_498 = arith.constant 3 : i32
      %dma_wait3A_499 = tpu.memref_slice %arg11[%dma_wait3A_498, %mul3A_479] : memref<4x3128xi32, #tpu.memory_space<vmem>> -> memref<1x128xi32, #tpu.memory_space<vmem>>
      %dma_wait3A_500 = tpu.memref_squeeze %dma_wait3A_499 : memref<1x128xi32, #tpu.memory_space<vmem>> -> memref<128xi32, #tpu.memory_space<vmem>>
      %dma_wait3A_501 = arith.constant 0 : i32
      %dma_wait3A_502 = arith.constant 0 : i32
      %dma_wait3A_503 = tpu.memref_slice %arg9[%dma_wait3A_501, %dma_wait3A_502] : memref<100000x48xf32, #tpu.memory_space<hbm>> -> memref<100000x48xf32, #tpu.memory_space<hbm>>
      tpu.wait_indirect_dma semaphore(%arg43 : memref<!tpu.dma_semaphore, #tpu.memory_space<semaphore_mem>>) src(%dma_wait3A_503 : memref<100000x48xf32, #tpu.memory_space<hbm>>) dst(%arg27 : memref<128x48xf32, #tpu.memory_space<vmem>>)
      %add3A_504 = arith.addi %min3A_3, %mul3A_479 : i32
      %dma_start3A_505 = arith.constant 0 : i32
      %dma_start3A_506 = tpu.memref_slice %arg10[%add3A_504, %dma_start3A_505] : memref<100000x128xf32, #tpu.memory_space<hbm>> -> memref<128x16xf32, #tpu.memory_space<hbm>>
      %dma_start3A_507 = arith.constant 0 : i32
      %dma_start3A_508 = tpu.memref_slice %arg10[%add3A_504, %dma_start3A_507] : memref<100000x128xf32, #tpu.memory_space<hbm>> -> memref<128x16xf32, #tpu.memory_space<hbm>>
      tpu.enqueue_dma source(%arg24 : memref<128x16xf32, #tpu.memory_space<vmem>>) target(%dma_start3A_508 : memref<128x16xf32, #tpu.memory_space<hbm>>) target_semaphore(%arg49 : memref<!tpu.dma_semaphore, #tpu.memory_space<semaphore_mem>>)
      %add3A_509 = arith.addi %min3A_3, %mul3A_479 : i32
      %dma_start3A_510 = arith.constant 16 : i32
      %dma_start3A_511 = tpu.memref_slice %arg10[%add3A_509, %dma_start3A_510] : memref<100000x128xf32, #tpu.memory_space<hbm>> -> memref<128x32xf32, #tpu.memory_space<hbm>>
      %dma_start3A_512 = arith.constant 16 : i32
      %dma_start3A_513 = tpu.memref_slice %arg10[%add3A_509, %dma_start3A_512] : memref<100000x128xf32, #tpu.memory_space<hbm>> -> memref<128x32xf32, #tpu.memory_space<hbm>>
      tpu.enqueue_dma source(%arg25 : memref<128x32xf32, #tpu.memory_space<vmem>>) target(%dma_start3A_513 : memref<128x32xf32, #tpu.memory_space<hbm>>) target_semaphore(%arg49 : memref<!tpu.dma_semaphore, #tpu.memory_space<semaphore_mem>>)
      %add3A_514 = arith.addi %min3A_3, %mul3A_479 : i32
      %dma_start3A_515 = arith.constant 48 : i32
      %dma_start3A_516 = tpu.memref_slice %arg10[%add3A_514, %dma_start3A_515] : memref<100000x128xf32, #tpu.memory_space<hbm>> -> memref<128x32xf32, #tpu.memory_space<hbm>>
      %dma_start3A_517 = arith.constant 48 : i32
      %dma_start3A_518 = tpu.memref_slice %arg10[%add3A_514, %dma_start3A_517] : memref<100000x128xf32, #tpu.memory_space<hbm>> -> memref<128x32xf32, #tpu.memory_space<hbm>>
      tpu.enqueue_dma source(%arg26 : memref<128x32xf32, #tpu.memory_space<vmem>>) target(%dma_start3A_518 : memref<128x32xf32, #tpu.memory_space<hbm>>) target_semaphore(%arg49 : memref<!tpu.dma_semaphore, #tpu.memory_space<semaphore_mem>>)
      %add3A_519 = arith.addi %min3A_3, %mul3A_479 : i32
      %dma_start3A_520 = arith.constant 80 : i32
      %dma_start3A_521 = tpu.memref_slice %arg10[%add3A_519, %dma_start3A_520] : memref<100000x128xf32, #tpu.memory_space<hbm>> -> memref<128x48xf32, #tpu.memory_space<hbm>>
      %dma_start3A_522 = arith.constant 80 : i32
      %dma_start3A_523 = tpu.memref_slice %arg10[%add3A_519, %dma_start3A_522] : memref<100000x128xf32, #tpu.memory_space<hbm>> -> memref<128x48xf32, #tpu.memory_space<hbm>>
      tpu.enqueue_dma source(%arg27 : memref<128x48xf32, #tpu.memory_space<vmem>>) target(%dma_start3A_523 : memref<128x48xf32, #tpu.memory_space<hbm>>) target_semaphore(%arg49 : memref<!tpu.dma_semaphore, #tpu.memory_space<semaphore_mem>>)
      %add3A_524 = arith.constant 3 : i32
      %add3A_525 = arith.addi %add3A_477, %add3A_524 : i32
      %lt3A_526 = arith.constant 24 : i32
      %lt3A_527 = arith.cmpi slt, %add3A_525, %lt3A_526 : i32
      %convert_element_type3A_528 = arith.extui %lt3A_527 : i1 to i32
      %cond3A_529 = arith.constant 0 : i32
      %cond3A_530 = arith.cmpi ne, %convert_element_type3A_528, %cond3A_529 : i32
      scf.if %cond3A_530 {
        %ge3A = arith.constant 3 : i32
        %ge3A_645 = arith.cmpi sge, %add3A_477, %ge3A : i32
        %convert_element_type3A_646 = arith.extui %ge3A_645 : i1 to i32
        %cond3A_647 = arith.constant 0 : i32
        %cond3A_648 = arith.cmpi ne, %convert_element_type3A_646, %cond3A_647 : i32
        scf.if %cond3A_648 {
          %sub3A = arith.constant 3 : i32
          %sub3A_677 = arith.subi %add3A_477, %sub3A : i32
          %mul3A_678 = arith.constant 128 : i32
          %mul3A_679 = arith.muli %sub3A_677, %mul3A_678 : i32
          %add3A_680 = arith.addi %min3A_3, %mul3A_679 : i32
          %dma_wait3A_681 = arith.constant 0 : i32
          %dma_wait3A_682 = tpu.memref_slice %arg10[%add3A_680, %dma_wait3A_681] : memref<100000x128xf32, #tpu.memory_space<hbm>> -> memref<128x16xf32, #tpu.memory_space<hbm>>
          %dma_wait3A_683 = arith.constant 0 : i32
          %dma_wait3A_684 = tpu.memref_slice %arg10[%add3A_680, %dma_wait3A_683] : memref<100000x128xf32, #tpu.memory_space<hbm>> -> memref<128x16xf32, #tpu.memory_space<hbm>>
          tpu.wait_dma2 semaphore(%arg46 : memref<!tpu.dma_semaphore, #tpu.memory_space<semaphore_mem>>) src(%arg12 : memref<128x16xf32, #tpu.memory_space<vmem>>) dst(%dma_wait3A_684 : memref<128x16xf32, #tpu.memory_space<hbm>>)
          %add3A_685 = arith.addi %min3A_3, %mul3A_679 : i32
          %dma_wait3A_686 = arith.constant 16 : i32
          %dma_wait3A_687 = tpu.memref_slice %arg10[%add3A_685, %dma_wait3A_686] : memref<100000x128xf32, #tpu.memory_space<hbm>> -> memref<128x32xf32, #tpu.memory_space<hbm>>
          %dma_wait3A_688 = arith.constant 16 : i32
          %dma_wait3A_689 = tpu.memref_slice %arg10[%add3A_685, %dma_wait3A_688] : memref<100000x128xf32, #tpu.memory_space<hbm>> -> memref<128x32xf32, #tpu.memory_space<hbm>>
          tpu.wait_dma2 semaphore(%arg46 : memref<!tpu.dma_semaphore, #tpu.memory_space<semaphore_mem>>) src(%arg13 : memref<128x32xf32, #tpu.memory_space<vmem>>) dst(%dma_wait3A_689 : memref<128x32xf32, #tpu.memory_space<hbm>>)
          %add3A_690 = arith.addi %min3A_3, %mul3A_679 : i32
          %dma_wait3A_691 = arith.constant 48 : i32
          %dma_wait3A_692 = tpu.memref_slice %arg10[%add3A_690, %dma_wait3A_691] : memref<100000x128xf32, #tpu.memory_space<hbm>> -> memref<128x32xf32, #tpu.memory_space<hbm>>
          %dma_wait3A_693 = arith.constant 48 : i32
          %dma_wait3A_694 = tpu.memref_slice %arg10[%add3A_690, %dma_wait3A_693] : memref<100000x128xf32, #tpu.memory_space<hbm>> -> memref<128x32xf32, #tpu.memory_space<hbm>>
          tpu.wait_dma2 semaphore(%arg46 : memref<!tpu.dma_semaphore, #tpu.memory_space<semaphore_mem>>) src(%arg14 : memref<128x32xf32, #tpu.memory_space<vmem>>) dst(%dma_wait3A_694 : memref<128x32xf32, #tpu.memory_space<hbm>>)
          %add3A_695 = arith.addi %min3A_3, %mul3A_679 : i32
          %dma_wait3A_696 = arith.constant 80 : i32
          %dma_wait3A_697 = tpu.memref_slice %arg10[%add3A_695, %dma_wait3A_696] : memref<100000x128xf32, #tpu.memory_space<hbm>> -> memref<128x48xf32, #tpu.memory_space<hbm>>
          %dma_wait3A_698 = arith.constant 80 : i32
          %dma_wait3A_699 = tpu.memref_slice %arg10[%add3A_695, %dma_wait3A_698] : memref<100000x128xf32, #tpu.memory_space<hbm>> -> memref<128x48xf32, #tpu.memory_space<hbm>>
          tpu.wait_dma2 semaphore(%arg46 : memref<!tpu.dma_semaphore, #tpu.memory_space<semaphore_mem>>) src(%arg15 : memref<128x48xf32, #tpu.memory_space<vmem>>) dst(%dma_wait3A_699 : memref<128x48xf32, #tpu.memory_space<hbm>>)
        } else {
        }
        %add3A_649 = arith.constant 3 : i32
        %add3A_650 = arith.addi %add3A_477, %add3A_649 : i32
        %mul3A_651 = arith.constant 128 : i32
        %mul3A_652 = arith.muli %add3A_650, %mul3A_651 : i32
        %dma_start3A_653 = arith.constant 0 : i32
        %dma_start3A_654 = tpu.memref_slice %arg11[%dma_start3A_653, %mul3A_652] : memref<4x3128xi32, #tpu.memory_space<vmem>> -> memref<1x128xi32, #tpu.memory_space<vmem>>
        %dma_start3A_655 = tpu.memref_squeeze %dma_start3A_654 : memref<1x128xi32, #tpu.memory_space<vmem>> -> memref<128xi32, #tpu.memory_space<vmem>>
        %dma_start3A_656 = arith.constant 0 : i32
        %dma_start3A_657 = arith.constant 0 : i32
        %dma_start3A_658 = tpu.memref_slice %arg6[%dma_start3A_656, %dma_start3A_657] : memref<128x16xf32, #tpu.memory_space<hbm>> -> memref<128x16xf32, #tpu.memory_space<hbm>>
        tpu.enqueue_indirect_dma source(%dma_start3A_658 : memref<128x16xf32, #tpu.memory_space<hbm>>) target(%arg12 : memref<128x16xf32, #tpu.memory_space<vmem>>) offsets(%dma_start3A_655 : memref<128xi32, #tpu.memory_space<vmem>>) semaphore(%arg40 : memref<!tpu.dma_semaphore, #tpu.memory_space<semaphore_mem>>)
        %dma_start3A_659 = arith.constant 1 : i32
        %dma_start3A_660 = tpu.memref_slice %arg11[%dma_start3A_659, %mul3A_652] : memref<4x3128xi32, #tpu.memory_space<vmem>> -> memref<1x128xi32, #tpu.memory_space<vmem>>
        %dma_start3A_661 = tpu.memref_squeeze %dma_start3A_660 : memref<1x128xi32, #tpu.memory_space<vmem>> -> memref<128xi32, #tpu.memory_space<vmem>>
        %dma_start3A_662 = arith.constant 0 : i32
        %dma_start3A_663 = arith.constant 0 : i32
        %dma_start3A_664 = tpu.memref_slice %arg7[%dma_start3A_662, %dma_start3A_663] : memref<1024x32xf32, #tpu.memory_space<hbm>> -> memref<1024x32xf32, #tpu.memory_space<hbm>>
        tpu.enqueue_indirect_dma source(%dma_start3A_664 : memref<1024x32xf32, #tpu.memory_space<hbm>>) target(%arg13 : memref<128x32xf32, #tpu.memory_space<vmem>>) offsets(%dma_start3A_661 : memref<128xi32, #tpu.memory_space<vmem>>) semaphore(%arg40 : memref<!tpu.dma_semaphore, #tpu.memory_space<semaphore_mem>>)
        %dma_start3A_665 = arith.constant 2 : i32
        %dma_start3A_666 = tpu.memref_slice %arg11[%dma_start3A_665, %mul3A_652] : memref<4x3128xi32, #tpu.memory_space<vmem>> -> memref<1x128xi32, #tpu.memory_space<vmem>>
        %dma_start3A_667 = tpu.memref_squeeze %dma_start3A_666 : memref<1x128xi32, #tpu.memory_space<vmem>> -> memref<128xi32, #tpu.memory_space<vmem>>
        %dma_start3A_668 = arith.constant 0 : i32
        %dma_start3A_669 = arith.constant 0 : i32
        %dma_start3A_670 = tpu.memref_slice %arg8[%dma_start3A_668, %dma_start3A_669] : memref<16384x32xf32, #tpu.memory_space<hbm>> -> memref<16384x32xf32, #tpu.memory_space<hbm>>
        tpu.enqueue_indirect_dma source(%dma_start3A_670 : memref<16384x32xf32, #tpu.memory_space<hbm>>) target(%arg14 : memref<128x32xf32, #tpu.memory_space<vmem>>) offsets(%dma_start3A_667 : memref<128xi32, #tpu.memory_space<vmem>>) semaphore(%arg40 : memref<!tpu.dma_semaphore, #tpu.memory_space<semaphore_mem>>)
        %dma_start3A_671 = arith.constant 3 : i32
        %dma_start3A_672 = tpu.memref_slice %arg11[%dma_start3A_671, %mul3A_652] : memref<4x3128xi32, #tpu.memory_space<vmem>> -> memref<1x128xi32, #tpu.memory_space<vmem>>
        %dma_start3A_673 = tpu.memref_squeeze %dma_start3A_672 : memref<1x128xi32, #tpu.memory_space<vmem>> -> memref<128xi32, #tpu.memory_space<vmem>>
        %dma_start3A_674 = arith.constant 0 : i32
        %dma_start3A_675 = arith.constant 0 : i32
        %dma_start3A_676 = tpu.memref_slice %arg9[%dma_start3A_674, %dma_start3A_675] : memref<100000x48xf32, #tpu.memory_space<hbm>> -> memref<100000x48xf32, #tpu.memory_space<hbm>>
        tpu.enqueue_indirect_dma source(%dma_start3A_676 : memref<100000x48xf32, #tpu.memory_space<hbm>>) target(%arg15 : memref<128x48xf32, #tpu.memory_space<vmem>>) offsets(%dma_start3A_673 : memref<128xi32, #tpu.memory_space<vmem>>) semaphore(%arg40 : memref<!tpu.dma_semaphore, #tpu.memory_space<semaphore_mem>>)
      } else {
      }
      %mul3A_531 = arith.constant 6 : i32
      %mul3A_532 = arith.muli %add3A_305, %mul3A_531 : i32
      %add3A_533 = arith.constant 4 : i32
      %add3A_534 = arith.addi %mul3A_532, %add3A_533 : i32
      %mul3A_535 = arith.constant 128 : i32
      %mul3A_536 = arith.muli %add3A_534, %mul3A_535 : i32
      %dma_wait3A_537 = arith.constant 0 : i32
      %dma_wait3A_538 = tpu.memref_slice %arg11[%dma_wait3A_537, %mul3A_536] : memref<4x3128xi32, #tpu.memory_space<vmem>> -> memref<1x128xi32, #tpu.memory_space<vmem>>
      %dma_wait3A_539 = tpu.memref_squeeze %dma_wait3A_538 : memref<1x128xi32, #tpu.memory_space<vmem>> -> memref<128xi32, #tpu.memory_space<vmem>>
      %dma_wait3A_540 = arith.constant 0 : i32
      %dma_wait3A_541 = arith.constant 0 : i32
      %dma_wait3A_542 = tpu.memref_slice %arg6[%dma_wait3A_540, %dma_wait3A_541] : memref<128x16xf32, #tpu.memory_space<hbm>> -> memref<128x16xf32, #tpu.memory_space<hbm>>
      tpu.wait_indirect_dma semaphore(%arg44 : memref<!tpu.dma_semaphore, #tpu.memory_space<semaphore_mem>>) src(%dma_wait3A_542 : memref<128x16xf32, #tpu.memory_space<hbm>>) dst(%arg28 : memref<128x16xf32, #tpu.memory_space<vmem>>)
      %dma_wait3A_543 = arith.constant 1 : i32
      %dma_wait3A_544 = tpu.memref_slice %arg11[%dma_wait3A_543, %mul3A_536] : memref<4x3128xi32, #tpu.memory_space<vmem>> -> memref<1x128xi32, #tpu.memory_space<vmem>>
      %dma_wait3A_545 = tpu.memref_squeeze %dma_wait3A_544 : memref<1x128xi32, #tpu.memory_space<vmem>> -> memref<128xi32, #tpu.memory_space<vmem>>
      %dma_wait3A_546 = arith.constant 0 : i32
      %dma_wait3A_547 = arith.constant 0 : i32
      %dma_wait3A_548 = tpu.memref_slice %arg7[%dma_wait3A_546, %dma_wait3A_547] : memref<1024x32xf32, #tpu.memory_space<hbm>> -> memref<1024x32xf32, #tpu.memory_space<hbm>>
      tpu.wait_indirect_dma semaphore(%arg44 : memref<!tpu.dma_semaphore, #tpu.memory_space<semaphore_mem>>) src(%dma_wait3A_548 : memref<1024x32xf32, #tpu.memory_space<hbm>>) dst(%arg29 : memref<128x32xf32, #tpu.memory_space<vmem>>)
      %dma_wait3A_549 = arith.constant 2 : i32
      %dma_wait3A_550 = tpu.memref_slice %arg11[%dma_wait3A_549, %mul3A_536] : memref<4x3128xi32, #tpu.memory_space<vmem>> -> memref<1x128xi32, #tpu.memory_space<vmem>>
      %dma_wait3A_551 = tpu.memref_squeeze %dma_wait3A_550 : memref<1x128xi32, #tpu.memory_space<vmem>> -> memref<128xi32, #tpu.memory_space<vmem>>
      %dma_wait3A_552 = arith.constant 0 : i32
      %dma_wait3A_553 = arith.constant 0 : i32
      %dma_wait3A_554 = tpu.memref_slice %arg8[%dma_wait3A_552, %dma_wait3A_553] : memref<16384x32xf32, #tpu.memory_space<hbm>> -> memref<16384x32xf32, #tpu.memory_space<hbm>>
      tpu.wait_indirect_dma semaphore(%arg44 : memref<!tpu.dma_semaphore, #tpu.memory_space<semaphore_mem>>) src(%dma_wait3A_554 : memref<16384x32xf32, #tpu.memory_space<hbm>>) dst(%arg30 : memref<128x32xf32, #tpu.memory_space<vmem>>)
      %dma_wait3A_555 = arith.constant 3 : i32
      %dma_wait3A_556 = tpu.memref_slice %arg11[%dma_wait3A_555, %mul3A_536] : memref<4x3128xi32, #tpu.memory_space<vmem>> -> memref<1x128xi32, #tpu.memory_space<vmem>>
      %dma_wait3A_557 = tpu.memref_squeeze %dma_wait3A_556 : memref<1x128xi32, #tpu.memory_space<vmem>> -> memref<128xi32, #tpu.memory_space<vmem>>
      %dma_wait3A_558 = arith.constant 0 : i32
      %dma_wait3A_559 = arith.constant 0 : i32
      %dma_wait3A_560 = tpu.memref_slice %arg9[%dma_wait3A_558, %dma_wait3A_559] : memref<100000x48xf32, #tpu.memory_space<hbm>> -> memref<100000x48xf32, #tpu.memory_space<hbm>>
      tpu.wait_indirect_dma semaphore(%arg44 : memref<!tpu.dma_semaphore, #tpu.memory_space<semaphore_mem>>) src(%dma_wait3A_560 : memref<100000x48xf32, #tpu.memory_space<hbm>>) dst(%arg31 : memref<128x48xf32, #tpu.memory_space<vmem>>)
      %add3A_561 = arith.addi %min3A_3, %mul3A_536 : i32
      %dma_start3A_562 = arith.constant 0 : i32
      %dma_start3A_563 = tpu.memref_slice %arg10[%add3A_561, %dma_start3A_562] : memref<100000x128xf32, #tpu.memory_space<hbm>> -> memref<128x16xf32, #tpu.memory_space<hbm>>
      %dma_start3A_564 = arith.constant 0 : i32
      %dma_start3A_565 = tpu.memref_slice %arg10[%add3A_561, %dma_start3A_564] : memref<100000x128xf32, #tpu.memory_space<hbm>> -> memref<128x16xf32, #tpu.memory_space<hbm>>
      tpu.enqueue_dma source(%arg28 : memref<128x16xf32, #tpu.memory_space<vmem>>) target(%dma_start3A_565 : memref<128x16xf32, #tpu.memory_space<hbm>>) target_semaphore(%arg50 : memref<!tpu.dma_semaphore, #tpu.memory_space<semaphore_mem>>)
      %add3A_566 = arith.addi %min3A_3, %mul3A_536 : i32
      %dma_start3A_567 = arith.constant 16 : i32
      %dma_start3A_568 = tpu.memref_slice %arg10[%add3A_566, %dma_start3A_567] : memref<100000x128xf32, #tpu.memory_space<hbm>> -> memref<128x32xf32, #tpu.memory_space<hbm>>
      %dma_start3A_569 = arith.constant 16 : i32
      %dma_start3A_570 = tpu.memref_slice %arg10[%add3A_566, %dma_start3A_569] : memref<100000x128xf32, #tpu.memory_space<hbm>> -> memref<128x32xf32, #tpu.memory_space<hbm>>
      tpu.enqueue_dma source(%arg29 : memref<128x32xf32, #tpu.memory_space<vmem>>) target(%dma_start3A_570 : memref<128x32xf32, #tpu.memory_space<hbm>>) target_semaphore(%arg50 : memref<!tpu.dma_semaphore, #tpu.memory_space<semaphore_mem>>)
      %add3A_571 = arith.addi %min3A_3, %mul3A_536 : i32
      %dma_start3A_572 = arith.constant 48 : i32
      %dma_start3A_573 = tpu.memref_slice %arg10[%add3A_571, %dma_start3A_572] : memref<100000x128xf32, #tpu.memory_space<hbm>> -> memref<128x32xf32, #tpu.memory_space<hbm>>
      %dma_start3A_574 = arith.constant 48 : i32
      %dma_start3A_575 = tpu.memref_slice %arg10[%add3A_571, %dma_start3A_574] : memref<100000x128xf32, #tpu.memory_space<hbm>> -> memref<128x32xf32, #tpu.memory_space<hbm>>
      tpu.enqueue_dma source(%arg30 : memref<128x32xf32, #tpu.memory_space<vmem>>) target(%dma_start3A_575 : memref<128x32xf32, #tpu.memory_space<hbm>>) target_semaphore(%arg50 : memref<!tpu.dma_semaphore, #tpu.memory_space<semaphore_mem>>)
      %add3A_576 = arith.addi %min3A_3, %mul3A_536 : i32
      %dma_start3A_577 = arith.constant 80 : i32
      %dma_start3A_578 = tpu.memref_slice %arg10[%add3A_576, %dma_start3A_577] : memref<100000x128xf32, #tpu.memory_space<hbm>> -> memref<128x48xf32, #tpu.memory_space<hbm>>
      %dma_start3A_579 = arith.constant 80 : i32
      %dma_start3A_580 = tpu.memref_slice %arg10[%add3A_576, %dma_start3A_579] : memref<100000x128xf32, #tpu.memory_space<hbm>> -> memref<128x48xf32, #tpu.memory_space<hbm>>
      tpu.enqueue_dma source(%arg31 : memref<128x48xf32, #tpu.memory_space<vmem>>) target(%dma_start3A_580 : memref<128x48xf32, #tpu.memory_space<hbm>>) target_semaphore(%arg50 : memref<!tpu.dma_semaphore, #tpu.memory_space<semaphore_mem>>)
      %add3A_581 = arith.constant 3 : i32
      %add3A_582 = arith.addi %add3A_534, %add3A_581 : i32
      %lt3A_583 = arith.constant 24 : i32
      %lt3A_584 = arith.cmpi slt, %add3A_582, %lt3A_583 : i32
      %convert_element_type3A_585 = arith.extui %lt3A_584 : i1 to i32
      %cond3A_586 = arith.constant 0 : i32
      %cond3A_587 = arith.cmpi ne, %convert_element_type3A_585, %cond3A_586 : i32
      scf.if %cond3A_587 {
        %ge3A = arith.constant 3 : i32
        %ge3A_645 = arith.cmpi sge, %add3A_534, %ge3A : i32
        %convert_element_type3A_646 = arith.extui %ge3A_645 : i1 to i32
        %cond3A_647 = arith.constant 0 : i32
        %cond3A_648 = arith.cmpi ne, %convert_element_type3A_646, %cond3A_647 : i32
        scf.if %cond3A_648 {
          %sub3A = arith.constant 3 : i32
          %sub3A_677 = arith.subi %add3A_534, %sub3A : i32
          %mul3A_678 = arith.constant 128 : i32
          %mul3A_679 = arith.muli %sub3A_677, %mul3A_678 : i32
          %add3A_680 = arith.addi %min3A_3, %mul3A_679 : i32
          %dma_wait3A_681 = arith.constant 0 : i32
          %dma_wait3A_682 = tpu.memref_slice %arg10[%add3A_680, %dma_wait3A_681] : memref<100000x128xf32, #tpu.memory_space<hbm>> -> memref<128x16xf32, #tpu.memory_space<hbm>>
          %dma_wait3A_683 = arith.constant 0 : i32
          %dma_wait3A_684 = tpu.memref_slice %arg10[%add3A_680, %dma_wait3A_683] : memref<100000x128xf32, #tpu.memory_space<hbm>> -> memref<128x16xf32, #tpu.memory_space<hbm>>
          tpu.wait_dma2 semaphore(%arg47 : memref<!tpu.dma_semaphore, #tpu.memory_space<semaphore_mem>>) src(%arg16 : memref<128x16xf32, #tpu.memory_space<vmem>>) dst(%dma_wait3A_684 : memref<128x16xf32, #tpu.memory_space<hbm>>)
          %add3A_685 = arith.addi %min3A_3, %mul3A_679 : i32
          %dma_wait3A_686 = arith.constant 16 : i32
          %dma_wait3A_687 = tpu.memref_slice %arg10[%add3A_685, %dma_wait3A_686] : memref<100000x128xf32, #tpu.memory_space<hbm>> -> memref<128x32xf32, #tpu.memory_space<hbm>>
          %dma_wait3A_688 = arith.constant 16 : i32
          %dma_wait3A_689 = tpu.memref_slice %arg10[%add3A_685, %dma_wait3A_688] : memref<100000x128xf32, #tpu.memory_space<hbm>> -> memref<128x32xf32, #tpu.memory_space<hbm>>
          tpu.wait_dma2 semaphore(%arg47 : memref<!tpu.dma_semaphore, #tpu.memory_space<semaphore_mem>>) src(%arg17 : memref<128x32xf32, #tpu.memory_space<vmem>>) dst(%dma_wait3A_689 : memref<128x32xf32, #tpu.memory_space<hbm>>)
          %add3A_690 = arith.addi %min3A_3, %mul3A_679 : i32
          %dma_wait3A_691 = arith.constant 48 : i32
          %dma_wait3A_692 = tpu.memref_slice %arg10[%add3A_690, %dma_wait3A_691] : memref<100000x128xf32, #tpu.memory_space<hbm>> -> memref<128x32xf32, #tpu.memory_space<hbm>>
          %dma_wait3A_693 = arith.constant 48 : i32
          %dma_wait3A_694 = tpu.memref_slice %arg10[%add3A_690, %dma_wait3A_693] : memref<100000x128xf32, #tpu.memory_space<hbm>> -> memref<128x32xf32, #tpu.memory_space<hbm>>
          tpu.wait_dma2 semaphore(%arg47 : memref<!tpu.dma_semaphore, #tpu.memory_space<semaphore_mem>>) src(%arg18 : memref<128x32xf32, #tpu.memory_space<vmem>>) dst(%dma_wait3A_694 : memref<128x32xf32, #tpu.memory_space<hbm>>)
          %add3A_695 = arith.addi %min3A_3, %mul3A_679 : i32
          %dma_wait3A_696 = arith.constant 80 : i32
          %dma_wait3A_697 = tpu.memref_slice %arg10[%add3A_695, %dma_wait3A_696] : memref<100000x128xf32, #tpu.memory_space<hbm>> -> memref<128x48xf32, #tpu.memory_space<hbm>>
          %dma_wait3A_698 = arith.constant 80 : i32
          %dma_wait3A_699 = tpu.memref_slice %arg10[%add3A_695, %dma_wait3A_698] : memref<100000x128xf32, #tpu.memory_space<hbm>> -> memref<128x48xf32, #tpu.memory_space<hbm>>
          tpu.wait_dma2 semaphore(%arg47 : memref<!tpu.dma_semaphore, #tpu.memory_space<semaphore_mem>>) src(%arg19 : memref<128x48xf32, #tpu.memory_space<vmem>>) dst(%dma_wait3A_699 : memref<128x48xf32, #tpu.memory_space<hbm>>)
        } else {
        }
        %add3A_649 = arith.constant 3 : i32
        %add3A_650 = arith.addi %add3A_534, %add3A_649 : i32
        %mul3A_651 = arith.constant 128 : i32
        %mul3A_652 = arith.muli %add3A_650, %mul3A_651 : i32
        %dma_start3A_653 = arith.constant 0 : i32
        %dma_start3A_654 = tpu.memref_slice %arg11[%dma_start3A_653, %mul3A_652] : memref<4x3128xi32, #tpu.memory_space<vmem>> -> memref<1x128xi32, #tpu.memory_space<vmem>>
        %dma_start3A_655 = tpu.memref_squeeze %dma_start3A_654 : memref<1x128xi32, #tpu.memory_space<vmem>> -> memref<128xi32, #tpu.memory_space<vmem>>
        %dma_start3A_656 = arith.constant 0 : i32
        %dma_start3A_657 = arith.constant 0 : i32
        %dma_start3A_658 = tpu.memref_slice %arg6[%dma_start3A_656, %dma_start3A_657] : memref<128x16xf32, #tpu.memory_space<hbm>> -> memref<128x16xf32, #tpu.memory_space<hbm>>
        tpu.enqueue_indirect_dma source(%dma_start3A_658 : memref<128x16xf32, #tpu.memory_space<hbm>>) target(%arg16 : memref<128x16xf32, #tpu.memory_space<vmem>>) offsets(%dma_start3A_655 : memref<128xi32, #tpu.memory_space<vmem>>) semaphore(%arg41 : memref<!tpu.dma_semaphore, #tpu.memory_space<semaphore_mem>>)
        %dma_start3A_659 = arith.constant 1 : i32
        %dma_start3A_660 = tpu.memref_slice %arg11[%dma_start3A_659, %mul3A_652] : memref<4x3128xi32, #tpu.memory_space<vmem>> -> memref<1x128xi32, #tpu.memory_space<vmem>>
        %dma_start3A_661 = tpu.memref_squeeze %dma_start3A_660 : memref<1x128xi32, #tpu.memory_space<vmem>> -> memref<128xi32, #tpu.memory_space<vmem>>
        %dma_start3A_662 = arith.constant 0 : i32
        %dma_start3A_663 = arith.constant 0 : i32
        %dma_start3A_664 = tpu.memref_slice %arg7[%dma_start3A_662, %dma_start3A_663] : memref<1024x32xf32, #tpu.memory_space<hbm>> -> memref<1024x32xf32, #tpu.memory_space<hbm>>
        tpu.enqueue_indirect_dma source(%dma_start3A_664 : memref<1024x32xf32, #tpu.memory_space<hbm>>) target(%arg17 : memref<128x32xf32, #tpu.memory_space<vmem>>) offsets(%dma_start3A_661 : memref<128xi32, #tpu.memory_space<vmem>>) semaphore(%arg41 : memref<!tpu.dma_semaphore, #tpu.memory_space<semaphore_mem>>)
        %dma_start3A_665 = arith.constant 2 : i32
        %dma_start3A_666 = tpu.memref_slice %arg11[%dma_start3A_665, %mul3A_652] : memref<4x3128xi32, #tpu.memory_space<vmem>> -> memref<1x128xi32, #tpu.memory_space<vmem>>
        %dma_start3A_667 = tpu.memref_squeeze %dma_start3A_666 : memref<1x128xi32, #tpu.memory_space<vmem>> -> memref<128xi32, #tpu.memory_space<vmem>>
        %dma_start3A_668 = arith.constant 0 : i32
        %dma_start3A_669 = arith.constant 0 : i32
        %dma_start3A_670 = tpu.memref_slice %arg8[%dma_start3A_668, %dma_start3A_669] : memref<16384x32xf32, #tpu.memory_space<hbm>> -> memref<16384x32xf32, #tpu.memory_space<hbm>>
        tpu.enqueue_indirect_dma source(%dma_start3A_670 : memref<16384x32xf32, #tpu.memory_space<hbm>>) target(%arg18 : memref<128x32xf32, #tpu.memory_space<vmem>>) offsets(%dma_start3A_667 : memref<128xi32, #tpu.memory_space<vmem>>) semaphore(%arg41 : memref<!tpu.dma_semaphore, #tpu.memory_space<semaphore_mem>>)
        %dma_start3A_671 = arith.constant 3 : i32
        %dma_start3A_672 = tpu.memref_slice %arg11[%dma_start3A_671, %mul3A_652] : memref<4x3128xi32, #tpu.memory_space<vmem>> -> memref<1x128xi32, #tpu.memory_space<vmem>>
        %dma_start3A_673 = tpu.memref_squeeze %dma_start3A_672 : memref<1x128xi32, #tpu.memory_space<vmem>> -> memref<128xi32, #tpu.memory_space<vmem>>
        %dma_start3A_674 = arith.constant 0 : i32
        %dma_start3A_675 = arith.constant 0 : i32
        %dma_start3A_676 = tpu.memref_slice %arg9[%dma_start3A_674, %dma_start3A_675] : memref<100000x48xf32, #tpu.memory_space<hbm>> -> memref<100000x48xf32, #tpu.memory_space<hbm>>
        tpu.enqueue_indirect_dma source(%dma_start3A_676 : memref<100000x48xf32, #tpu.memory_space<hbm>>) target(%arg19 : memref<128x48xf32, #tpu.memory_space<vmem>>) offsets(%dma_start3A_673 : memref<128xi32, #tpu.memory_space<vmem>>) semaphore(%arg41 : memref<!tpu.dma_semaphore, #tpu.memory_space<semaphore_mem>>)
      } else {
      }
      %mul3A_588 = arith.constant 6 : i32
      %mul3A_589 = arith.muli %add3A_305, %mul3A_588 : i32
      %add3A_590 = arith.constant 5 : i32
      %add3A_591 = arith.addi %mul3A_589, %add3A_590 : i32
      %mul3A_592 = arith.constant 128 : i32
      %mul3A_593 = arith.muli %add3A_591, %mul3A_592 : i32
      %dma_wait3A_594 = arith.constant 0 : i32
      %dma_wait3A_595 = tpu.memref_slice %arg11[%dma_wait3A_594, %mul3A_593] : memref<4x3128xi32, #tpu.memory_space<vmem>> -> memref<1x128xi32, #tpu.memory_space<vmem>>
      %dma_wait3A_596 = tpu.memref_squeeze %dma_wait3A_595 : memref<1x128xi32, #tpu.memory_space<vmem>> -> memref<128xi32, #tpu.memory_space<vmem>>
      %dma_wait3A_597 = arith.constant 0 : i32
      %dma_wait3A_598 = arith.constant 0 : i32
      %dma_wait3A_599 = tpu.memref_slice %arg6[%dma_wait3A_597, %dma_wait3A_598] : memref<128x16xf32, #tpu.memory_space<hbm>> -> memref<128x16xf32, #tpu.memory_space<hbm>>
      tpu.wait_indirect_dma semaphore(%arg45 : memref<!tpu.dma_semaphore, #tpu.memory_space<semaphore_mem>>) src(%dma_wait3A_599 : memref<128x16xf32, #tpu.memory_space<hbm>>) dst(%arg32 : memref<128x16xf32, #tpu.memory_space<vmem>>)
      %dma_wait3A_600 = arith.constant 1 : i32
      %dma_wait3A_601 = tpu.memref_slice %arg11[%dma_wait3A_600, %mul3A_593] : memref<4x3128xi32, #tpu.memory_space<vmem>> -> memref<1x128xi32, #tpu.memory_space<vmem>>
      %dma_wait3A_602 = tpu.memref_squeeze %dma_wait3A_601 : memref<1x128xi32, #tpu.memory_space<vmem>> -> memref<128xi32, #tpu.memory_space<vmem>>
      %dma_wait3A_603 = arith.constant 0 : i32
      %dma_wait3A_604 = arith.constant 0 : i32
      %dma_wait3A_605 = tpu.memref_slice %arg7[%dma_wait3A_603, %dma_wait3A_604] : memref<1024x32xf32, #tpu.memory_space<hbm>> -> memref<1024x32xf32, #tpu.memory_space<hbm>>
      tpu.wait_indirect_dma semaphore(%arg45 : memref<!tpu.dma_semaphore, #tpu.memory_space<semaphore_mem>>) src(%dma_wait3A_605 : memref<1024x32xf32, #tpu.memory_space<hbm>>) dst(%arg33 : memref<128x32xf32, #tpu.memory_space<vmem>>)
      %dma_wait3A_606 = arith.constant 2 : i32
      %dma_wait3A_607 = tpu.memref_slice %arg11[%dma_wait3A_606, %mul3A_593] : memref<4x3128xi32, #tpu.memory_space<vmem>> -> memref<1x128xi32, #tpu.memory_space<vmem>>
      %dma_wait3A_608 = tpu.memref_squeeze %dma_wait3A_607 : memref<1x128xi32, #tpu.memory_space<vmem>> -> memref<128xi32, #tpu.memory_space<vmem>>
      %dma_wait3A_609 = arith.constant 0 : i32
      %dma_wait3A_610 = arith.constant 0 : i32
      %dma_wait3A_611 = tpu.memref_slice %arg8[%dma_wait3A_609, %dma_wait3A_610] : memref<16384x32xf32, #tpu.memory_space<hbm>> -> memref<16384x32xf32, #tpu.memory_space<hbm>>
      tpu.wait_indirect_dma semaphore(%arg45 : memref<!tpu.dma_semaphore, #tpu.memory_space<semaphore_mem>>) src(%dma_wait3A_611 : memref<16384x32xf32, #tpu.memory_space<hbm>>) dst(%arg34 : memref<128x32xf32, #tpu.memory_space<vmem>>)
      %dma_wait3A_612 = arith.constant 3 : i32
      %dma_wait3A_613 = tpu.memref_slice %arg11[%dma_wait3A_612, %mul3A_593] : memref<4x3128xi32, #tpu.memory_space<vmem>> -> memref<1x128xi32, #tpu.memory_space<vmem>>
      %dma_wait3A_614 = tpu.memref_squeeze %dma_wait3A_613 : memref<1x128xi32, #tpu.memory_space<vmem>> -> memref<128xi32, #tpu.memory_space<vmem>>
      %dma_wait3A_615 = arith.constant 0 : i32
      %dma_wait3A_616 = arith.constant 0 : i32
      %dma_wait3A_617 = tpu.memref_slice %arg9[%dma_wait3A_615, %dma_wait3A_616] : memref<100000x48xf32, #tpu.memory_space<hbm>> -> memref<100000x48xf32, #tpu.memory_space<hbm>>
      tpu.wait_indirect_dma semaphore(%arg45 : memref<!tpu.dma_semaphore, #tpu.memory_space<semaphore_mem>>) src(%dma_wait3A_617 : memref<100000x48xf32, #tpu.memory_space<hbm>>) dst(%arg35 : memref<128x48xf32, #tpu.memory_space<vmem>>)
      %add3A_618 = arith.addi %min3A_3, %mul3A_593 : i32
      %dma_start3A_619 = arith.constant 0 : i32
      %dma_start3A_620 = tpu.memref_slice %arg10[%add3A_618, %dma_start3A_619] : memref<100000x128xf32, #tpu.memory_space<hbm>> -> memref<128x16xf32, #tpu.memory_space<hbm>>
      %dma_start3A_621 = arith.constant 0 : i32
      %dma_start3A_622 = tpu.memref_slice %arg10[%add3A_618, %dma_start3A_621] : memref<100000x128xf32, #tpu.memory_space<hbm>> -> memref<128x16xf32, #tpu.memory_space<hbm>>
      tpu.enqueue_dma source(%arg32 : memref<128x16xf32, #tpu.memory_space<vmem>>) target(%dma_start3A_622 : memref<128x16xf32, #tpu.memory_space<hbm>>) target_semaphore(%arg51 : memref<!tpu.dma_semaphore, #tpu.memory_space<semaphore_mem>>)
      %add3A_623 = arith.addi %min3A_3, %mul3A_593 : i32
      %dma_start3A_624 = arith.constant 16 : i32
      %dma_start3A_625 = tpu.memref_slice %arg10[%add3A_623, %dma_start3A_624] : memref<100000x128xf32, #tpu.memory_space<hbm>> -> memref<128x32xf32, #tpu.memory_space<hbm>>
      %dma_start3A_626 = arith.constant 16 : i32
      %dma_start3A_627 = tpu.memref_slice %arg10[%add3A_623, %dma_start3A_626] : memref<100000x128xf32, #tpu.memory_space<hbm>> -> memref<128x32xf32, #tpu.memory_space<hbm>>
      tpu.enqueue_dma source(%arg33 : memref<128x32xf32, #tpu.memory_space<vmem>>) target(%dma_start3A_627 : memref<128x32xf32, #tpu.memory_space<hbm>>) target_semaphore(%arg51 : memref<!tpu.dma_semaphore, #tpu.memory_space<semaphore_mem>>)
      %add3A_628 = arith.addi %min3A_3, %mul3A_593 : i32
      %dma_start3A_629 = arith.constant 48 : i32
      %dma_start3A_630 = tpu.memref_slice %arg10[%add3A_628, %dma_start3A_629] : memref<100000x128xf32, #tpu.memory_space<hbm>> -> memref<128x32xf32, #tpu.memory_space<hbm>>
      %dma_start3A_631 = arith.constant 48 : i32
      %dma_start3A_632 = tpu.memref_slice %arg10[%add3A_628, %dma_start3A_631] : memref<100000x128xf32, #tpu.memory_space<hbm>> -> memref<128x32xf32, #tpu.memory_space<hbm>>
      tpu.enqueue_dma source(%arg34 : memref<128x32xf32, #tpu.memory_space<vmem>>) target(%dma_start3A_632 : memref<128x32xf32, #tpu.memory_space<hbm>>) target_semaphore(%arg51 : memref<!tpu.dma_semaphore, #tpu.memory_space<semaphore_mem>>)
      %add3A_633 = arith.addi %min3A_3, %mul3A_593 : i32
      %dma_start3A_634 = arith.constant 80 : i32
      %dma_start3A_635 = tpu.memref_slice %arg10[%add3A_633, %dma_start3A_634] : memref<100000x128xf32, #tpu.memory_space<hbm>> -> memref<128x48xf32, #tpu.memory_space<hbm>>
      %dma_start3A_636 = arith.constant 80 : i32
      %dma_start3A_637 = tpu.memref_slice %arg10[%add3A_633, %dma_start3A_636] : memref<100000x128xf32, #tpu.memory_space<hbm>> -> memref<128x48xf32, #tpu.memory_space<hbm>>
      tpu.enqueue_dma source(%arg35 : memref<128x48xf32, #tpu.memory_space<vmem>>) target(%dma_start3A_637 : memref<128x48xf32, #tpu.memory_space<hbm>>) target_semaphore(%arg51 : memref<!tpu.dma_semaphore, #tpu.memory_space<semaphore_mem>>)
      %add3A_638 = arith.constant 3 : i32
      %add3A_639 = arith.addi %add3A_591, %add3A_638 : i32
      %lt3A_640 = arith.constant 24 : i32
      %lt3A_641 = arith.cmpi slt, %add3A_639, %lt3A_640 : i32
      %convert_element_type3A_642 = arith.extui %lt3A_641 : i1 to i32
      %cond3A_643 = arith.constant 0 : i32
      %cond3A_644 = arith.cmpi ne, %convert_element_type3A_642, %cond3A_643 : i32
      scf.if %cond3A_644 {
        %ge3A = arith.constant 3 : i32
        %ge3A_645 = arith.cmpi sge, %add3A_591, %ge3A : i32
        %convert_element_type3A_646 = arith.extui %ge3A_645 : i1 to i32
        %cond3A_647 = arith.constant 0 : i32
        %cond3A_648 = arith.cmpi ne, %convert_element_type3A_646, %cond3A_647 : i32
        scf.if %cond3A_648 {
          %sub3A = arith.constant 3 : i32
          %sub3A_677 = arith.subi %add3A_591, %sub3A : i32
          %mul3A_678 = arith.constant 128 : i32
          %mul3A_679 = arith.muli %sub3A_677, %mul3A_678 : i32
          %add3A_680 = arith.addi %min3A_3, %mul3A_679 : i32
          %dma_wait3A_681 = arith.constant 0 : i32
          %dma_wait3A_682 = tpu.memref_slice %arg10[%add3A_680, %dma_wait3A_681] : memref<100000x128xf32, #tpu.memory_space<hbm>> -> memref<128x16xf32, #tpu.memory_space<hbm>>
          %dma_wait3A_683 = arith.constant 0 : i32
          %dma_wait3A_684 = tpu.memref_slice %arg10[%add3A_680, %dma_wait3A_683] : memref<100000x128xf32, #tpu.memory_space<hbm>> -> memref<128x16xf32, #tpu.memory_space<hbm>>
          tpu.wait_dma2 semaphore(%arg48 : memref<!tpu.dma_semaphore, #tpu.memory_space<semaphore_mem>>) src(%arg20 : memref<128x16xf32, #tpu.memory_space<vmem>>) dst(%dma_wait3A_684 : memref<128x16xf32, #tpu.memory_space<hbm>>)
          %add3A_685 = arith.addi %min3A_3, %mul3A_679 : i32
          %dma_wait3A_686 = arith.constant 16 : i32
          %dma_wait3A_687 = tpu.memref_slice %arg10[%add3A_685, %dma_wait3A_686] : memref<100000x128xf32, #tpu.memory_space<hbm>> -> memref<128x32xf32, #tpu.memory_space<hbm>>
          %dma_wait3A_688 = arith.constant 16 : i32
          %dma_wait3A_689 = tpu.memref_slice %arg10[%add3A_685, %dma_wait3A_688] : memref<100000x128xf32, #tpu.memory_space<hbm>> -> memref<128x32xf32, #tpu.memory_space<hbm>>
          tpu.wait_dma2 semaphore(%arg48 : memref<!tpu.dma_semaphore, #tpu.memory_space<semaphore_mem>>) src(%arg21 : memref<128x32xf32, #tpu.memory_space<vmem>>) dst(%dma_wait3A_689 : memref<128x32xf32, #tpu.memory_space<hbm>>)
          %add3A_690 = arith.addi %min3A_3, %mul3A_679 : i32
          %dma_wait3A_691 = arith.constant 48 : i32
          %dma_wait3A_692 = tpu.memref_slice %arg10[%add3A_690, %dma_wait3A_691] : memref<100000x128xf32, #tpu.memory_space<hbm>> -> memref<128x32xf32, #tpu.memory_space<hbm>>
          %dma_wait3A_693 = arith.constant 48 : i32
          %dma_wait3A_694 = tpu.memref_slice %arg10[%add3A_690, %dma_wait3A_693] : memref<100000x128xf32, #tpu.memory_space<hbm>> -> memref<128x32xf32, #tpu.memory_space<hbm>>
          tpu.wait_dma2 semaphore(%arg48 : memref<!tpu.dma_semaphore, #tpu.memory_space<semaphore_mem>>) src(%arg22 : memref<128x32xf32, #tpu.memory_space<vmem>>) dst(%dma_wait3A_694 : memref<128x32xf32, #tpu.memory_space<hbm>>)
          %add3A_695 = arith.addi %min3A_3, %mul3A_679 : i32
          %dma_wait3A_696 = arith.constant 80 : i32
          %dma_wait3A_697 = tpu.memref_slice %arg10[%add3A_695, %dma_wait3A_696] : memref<100000x128xf32, #tpu.memory_space<hbm>> -> memref<128x48xf32, #tpu.memory_space<hbm>>
          %dma_wait3A_698 = arith.constant 80 : i32
          %dma_wait3A_699 = tpu.memref_slice %arg10[%add3A_695, %dma_wait3A_698] : memref<100000x128xf32, #tpu.memory_space<hbm>> -> memref<128x48xf32, #tpu.memory_space<hbm>>
          tpu.wait_dma2 semaphore(%arg48 : memref<!tpu.dma_semaphore, #tpu.memory_space<semaphore_mem>>) src(%arg23 : memref<128x48xf32, #tpu.memory_space<vmem>>) dst(%dma_wait3A_699 : memref<128x48xf32, #tpu.memory_space<hbm>>)
        } else {
        }
        %add3A_649 = arith.constant 3 : i32
        %add3A_650 = arith.addi %add3A_591, %add3A_649 : i32
        %mul3A_651 = arith.constant 128 : i32
        %mul3A_652 = arith.muli %add3A_650, %mul3A_651 : i32
        %dma_start3A_653 = arith.constant 0 : i32
        %dma_start3A_654 = tpu.memref_slice %arg11[%dma_start3A_653, %mul3A_652] : memref<4x3128xi32, #tpu.memory_space<vmem>> -> memref<1x128xi32, #tpu.memory_space<vmem>>
        %dma_start3A_655 = tpu.memref_squeeze %dma_start3A_654 : memref<1x128xi32, #tpu.memory_space<vmem>> -> memref<128xi32, #tpu.memory_space<vmem>>
        %dma_start3A_656 = arith.constant 0 : i32
        %dma_start3A_657 = arith.constant 0 : i32
        %dma_start3A_658 = tpu.memref_slice %arg6[%dma_start3A_656, %dma_start3A_657] : memref<128x16xf32, #tpu.memory_space<hbm>> -> memref<128x16xf32, #tpu.memory_space<hbm>>
        tpu.enqueue_indirect_dma source(%dma_start3A_658 : memref<128x16xf32, #tpu.memory_space<hbm>>) target(%arg20 : memref<128x16xf32, #tpu.memory_space<vmem>>) offsets(%dma_start3A_655 : memref<128xi32, #tpu.memory_space<vmem>>) semaphore(%arg42 : memref<!tpu.dma_semaphore, #tpu.memory_space<semaphore_mem>>)
        %dma_start3A_659 = arith.constant 1 : i32
        %dma_start3A_660 = tpu.memref_slice %arg11[%dma_start3A_659, %mul3A_652] : memref<4x3128xi32, #tpu.memory_space<vmem>> -> memref<1x128xi32, #tpu.memory_space<vmem>>
        %dma_start3A_661 = tpu.memref_squeeze %dma_start3A_660 : memref<1x128xi32, #tpu.memory_space<vmem>> -> memref<128xi32, #tpu.memory_space<vmem>>
        %dma_start3A_662 = arith.constant 0 : i32
        %dma_start3A_663 = arith.constant 0 : i32
        %dma_start3A_664 = tpu.memref_slice %arg7[%dma_start3A_662, %dma_start3A_663] : memref<1024x32xf32, #tpu.memory_space<hbm>> -> memref<1024x32xf32, #tpu.memory_space<hbm>>
        tpu.enqueue_indirect_dma source(%dma_start3A_664 : memref<1024x32xf32, #tpu.memory_space<hbm>>) target(%arg21 : memref<128x32xf32, #tpu.memory_space<vmem>>) offsets(%dma_start3A_661 : memref<128xi32, #tpu.memory_space<vmem>>) semaphore(%arg42 : memref<!tpu.dma_semaphore, #tpu.memory_space<semaphore_mem>>)
        %dma_start3A_665 = arith.constant 2 : i32
        %dma_start3A_666 = tpu.memref_slice %arg11[%dma_start3A_665, %mul3A_652] : memref<4x3128xi32, #tpu.memory_space<vmem>> -> memref<1x128xi32, #tpu.memory_space<vmem>>
        %dma_start3A_667 = tpu.memref_squeeze %dma_start3A_666 : memref<1x128xi32, #tpu.memory_space<vmem>> -> memref<128xi32, #tpu.memory_space<vmem>>
        %dma_start3A_668 = arith.constant 0 : i32
        %dma_start3A_669 = arith.constant 0 : i32
        %dma_start3A_670 = tpu.memref_slice %arg8[%dma_start3A_668, %dma_start3A_669] : memref<16384x32xf32, #tpu.memory_space<hbm>> -> memref<16384x32xf32, #tpu.memory_space<hbm>>
        tpu.enqueue_indirect_dma source(%dma_start3A_670 : memref<16384x32xf32, #tpu.memory_space<hbm>>) target(%arg22 : memref<128x32xf32, #tpu.memory_space<vmem>>) offsets(%dma_start3A_667 : memref<128xi32, #tpu.memory_space<vmem>>) semaphore(%arg42 : memref<!tpu.dma_semaphore, #tpu.memory_space<semaphore_mem>>)
        %dma_start3A_671 = arith.constant 3 : i32
        %dma_start3A_672 = tpu.memref_slice %arg11[%dma_start3A_671, %mul3A_652] : memref<4x3128xi32, #tpu.memory_space<vmem>> -> memref<1x128xi32, #tpu.memory_space<vmem>>
        %dma_start3A_673 = tpu.memref_squeeze %dma_start3A_672 : memref<1x128xi32, #tpu.memory_space<vmem>> -> memref<128xi32, #tpu.memory_space<vmem>>
        %dma_start3A_674 = arith.constant 0 : i32
        %dma_start3A_675 = arith.constant 0 : i32
        %dma_start3A_676 = tpu.memref_slice %arg9[%dma_start3A_674, %dma_start3A_675] : memref<100000x48xf32, #tpu.memory_space<hbm>> -> memref<100000x48xf32, #tpu.memory_space<hbm>>
        tpu.enqueue_indirect_dma source(%dma_start3A_676 : memref<100000x48xf32, #tpu.memory_space<hbm>>) target(%arg23 : memref<128x48xf32, #tpu.memory_space<vmem>>) offsets(%dma_start3A_673 : memref<128xi32, #tpu.memory_space<vmem>>) semaphore(%arg42 : memref<!tpu.dma_semaphore, #tpu.memory_space<semaphore_mem>>)
      } else {
      }
    }
    %scan3A_121 = arith.constant 4 : i32
    %add3A_122 = arith.constant 2304 : i32
    %add3A_123 = arith.addi %min3A_3, %add3A_122 : i32
    %dma_wait3A = arith.constant 0 : i32
    %dma_wait3A_124 = tpu.memref_slice %arg10[%add3A_123, %dma_wait3A] : memref<100000x128xf32, #tpu.memory_space<hbm>> -> memref<128x16xf32, #tpu.memory_space<hbm>>
    %dma_wait3A_125 = arith.constant 0 : i32
    %dma_wait3A_126 = tpu.memref_slice %arg10[%add3A_123, %dma_wait3A_125] : memref<100000x128xf32, #tpu.memory_space<hbm>> -> memref<128x16xf32, #tpu.memory_space<hbm>>
    tpu.wait_dma2 semaphore(%arg46 : memref<!tpu.dma_semaphore, #tpu.memory_space<semaphore_mem>>) src(%arg12 : memref<128x16xf32, #tpu.memory_space<vmem>>) dst(%dma_wait3A_126 : memref<128x16xf32, #tpu.memory_space<hbm>>)
    %add3A_127 = arith.constant 2304 : i32
    %add3A_128 = arith.addi %min3A_3, %add3A_127 : i32
    %dma_wait3A_129 = arith.constant 16 : i32
    %dma_wait3A_130 = tpu.memref_slice %arg10[%add3A_128, %dma_wait3A_129] : memref<100000x128xf32, #tpu.memory_space<hbm>> -> memref<128x32xf32, #tpu.memory_space<hbm>>
    %dma_wait3A_131 = arith.constant 16 : i32
    %dma_wait3A_132 = tpu.memref_slice %arg10[%add3A_128, %dma_wait3A_131] : memref<100000x128xf32, #tpu.memory_space<hbm>> -> memref<128x32xf32, #tpu.memory_space<hbm>>
    tpu.wait_dma2 semaphore(%arg46 : memref<!tpu.dma_semaphore, #tpu.memory_space<semaphore_mem>>) src(%arg13 : memref<128x32xf32, #tpu.memory_space<vmem>>) dst(%dma_wait3A_132 : memref<128x32xf32, #tpu.memory_space<hbm>>)
    %add3A_133 = arith.constant 2304 : i32
    %add3A_134 = arith.addi %min3A_3, %add3A_133 : i32
    %dma_wait3A_135 = arith.constant 48 : i32
    %dma_wait3A_136 = tpu.memref_slice %arg10[%add3A_134, %dma_wait3A_135] : memref<100000x128xf32, #tpu.memory_space<hbm>> -> memref<128x32xf32, #tpu.memory_space<hbm>>
    %dma_wait3A_137 = arith.constant 48 : i32
    %dma_wait3A_138 = tpu.memref_slice %arg10[%add3A_134, %dma_wait3A_137] : memref<100000x128xf32, #tpu.memory_space<hbm>> -> memref<128x32xf32, #tpu.memory_space<hbm>>
    tpu.wait_dma2 semaphore(%arg46 : memref<!tpu.dma_semaphore, #tpu.memory_space<semaphore_mem>>) src(%arg14 : memref<128x32xf32, #tpu.memory_space<vmem>>) dst(%dma_wait3A_138 : memref<128x32xf32, #tpu.memory_space<hbm>>)
    %add3A_139 = arith.constant 2304 : i32
    %add3A_140 = arith.addi %min3A_3, %add3A_139 : i32
    %dma_wait3A_141 = arith.constant 80 : i32
    %dma_wait3A_142 = tpu.memref_slice %arg10[%add3A_140, %dma_wait3A_141] : memref<100000x128xf32, #tpu.memory_space<hbm>> -> memref<128x48xf32, #tpu.memory_space<hbm>>
    %dma_wait3A_143 = arith.constant 80 : i32
    %dma_wait3A_144 = tpu.memref_slice %arg10[%add3A_140, %dma_wait3A_143] : memref<100000x128xf32, #tpu.memory_space<hbm>> -> memref<128x48xf32, #tpu.memory_space<hbm>>
    tpu.wait_dma2 semaphore(%arg46 : memref<!tpu.dma_semaphore, #tpu.memory_space<semaphore_mem>>) src(%arg15 : memref<128x48xf32, #tpu.memory_space<vmem>>) dst(%dma_wait3A_144 : memref<128x48xf32, #tpu.memory_space<hbm>>)
    %add3A_145 = arith.constant 2432 : i32
    %add3A_146 = arith.addi %min3A_3, %add3A_145 : i32
    %dma_wait3A_147 = arith.constant 0 : i32
    %dma_wait3A_148 = tpu.memref_slice %arg10[%add3A_146, %dma_wait3A_147] : memref<100000x128xf32, #tpu.memory_space<hbm>> -> memref<128x16xf32, #tpu.memory_space<hbm>>
    %dma_wait3A_149 = arith.constant 0 : i32
    %dma_wait3A_150 = tpu.memref_slice %arg10[%add3A_146, %dma_wait3A_149] : memref<100000x128xf32, #tpu.memory_space<hbm>> -> memref<128x16xf32, #tpu.memory_space<hbm>>
    tpu.wait_dma2 semaphore(%arg47 : memref<!tpu.dma_semaphore, #tpu.memory_space<semaphore_mem>>) src(%arg16 : memref<128x16xf32, #tpu.memory_space<vmem>>) dst(%dma_wait3A_150 : memref<128x16xf32, #tpu.memory_space<hbm>>)
    %add3A_151 = arith.constant 2432 : i32
    %add3A_152 = arith.addi %min3A_3, %add3A_151 : i32
    %dma_wait3A_153 = arith.constant 16 : i32
    %dma_wait3A_154 = tpu.memref_slice %arg10[%add3A_152, %dma_wait3A_153] : memref<100000x128xf32, #tpu.memory_space<hbm>> -> memref<128x32xf32, #tpu.memory_space<hbm>>
    %dma_wait3A_155 = arith.constant 16 : i32
    %dma_wait3A_156 = tpu.memref_slice %arg10[%add3A_152, %dma_wait3A_155] : memref<100000x128xf32, #tpu.memory_space<hbm>> -> memref<128x32xf32, #tpu.memory_space<hbm>>
    tpu.wait_dma2 semaphore(%arg47 : memref<!tpu.dma_semaphore, #tpu.memory_space<semaphore_mem>>) src(%arg17 : memref<128x32xf32, #tpu.memory_space<vmem>>) dst(%dma_wait3A_156 : memref<128x32xf32, #tpu.memory_space<hbm>>)
    %add3A_157 = arith.constant 2432 : i32
    %add3A_158 = arith.addi %min3A_3, %add3A_157 : i32
    %dma_wait3A_159 = arith.constant 48 : i32
    %dma_wait3A_160 = tpu.memref_slice %arg10[%add3A_158, %dma_wait3A_159] : memref<100000x128xf32, #tpu.memory_space<hbm>> -> memref<128x32xf32, #tpu.memory_space<hbm>>
    %dma_wait3A_161 = arith.constant 48 : i32
    %dma_wait3A_162 = tpu.memref_slice %arg10[%add3A_158, %dma_wait3A_161] : memref<100000x128xf32, #tpu.memory_space<hbm>> -> memref<128x32xf32, #tpu.memory_space<hbm>>
    tpu.wait_dma2 semaphore(%arg47 : memref<!tpu.dma_semaphore, #tpu.memory_space<semaphore_mem>>) src(%arg18 : memref<128x32xf32, #tpu.memory_space<vmem>>) dst(%dma_wait3A_162 : memref<128x32xf32, #tpu.memory_space<hbm>>)
    %add3A_163 = arith.constant 2432 : i32
    %add3A_164 = arith.addi %min3A_3, %add3A_163 : i32
    %dma_wait3A_165 = arith.constant 80 : i32
    %dma_wait3A_166 = tpu.memref_slice %arg10[%add3A_164, %dma_wait3A_165] : memref<100000x128xf32, #tpu.memory_space<hbm>> -> memref<128x48xf32, #tpu.memory_space<hbm>>
    %dma_wait3A_167 = arith.constant 80 : i32
    %dma_wait3A_168 = tpu.memref_slice %arg10[%add3A_164, %dma_wait3A_167] : memref<100000x128xf32, #tpu.memory_space<hbm>> -> memref<128x48xf32, #tpu.memory_space<hbm>>
    tpu.wait_dma2 semaphore(%arg47 : memref<!tpu.dma_semaphore, #tpu.memory_space<semaphore_mem>>) src(%arg19 : memref<128x48xf32, #tpu.memory_space<vmem>>) dst(%dma_wait3A_168 : memref<128x48xf32, #tpu.memory_space<hbm>>)
    %add3A_169 = arith.constant 2560 : i32
    %add3A_170 = arith.addi %min3A_3, %add3A_169 : i32
    %dma_wait3A_171 = arith.constant 0 : i32
    %dma_wait3A_172 = tpu.memref_slice %arg10[%add3A_170, %dma_wait3A_171] : memref<100000x128xf32, #tpu.memory_space<hbm>> -> memref<128x16xf32, #tpu.memory_space<hbm>>
    %dma_wait3A_173 = arith.constant 0 : i32
    %dma_wait3A_174 = tpu.memref_slice %arg10[%add3A_170, %dma_wait3A_173] : memref<100000x128xf32, #tpu.memory_space<hbm>> -> memref<128x16xf32, #tpu.memory_space<hbm>>
    tpu.wait_dma2 semaphore(%arg48 : memref<!tpu.dma_semaphore, #tpu.memory_space<semaphore_mem>>) src(%arg20 : memref<128x16xf32, #tpu.memory_space<vmem>>) dst(%dma_wait3A_174 : memref<128x16xf32, #tpu.memory_space<hbm>>)
    %add3A_175 = arith.constant 2560 : i32
    %add3A_176 = arith.addi %min3A_3, %add3A_175 : i32
    %dma_wait3A_177 = arith.constant 16 : i32
    %dma_wait3A_178 = tpu.memref_slice %arg10[%add3A_176, %dma_wait3A_177] : memref<100000x128xf32, #tpu.memory_space<hbm>> -> memref<128x32xf32, #tpu.memory_space<hbm>>
    %dma_wait3A_179 = arith.constant 16 : i32
    %dma_wait3A_180 = tpu.memref_slice %arg10[%add3A_176, %dma_wait3A_179] : memref<100000x128xf32, #tpu.memory_space<hbm>> -> memref<128x32xf32, #tpu.memory_space<hbm>>
    tpu.wait_dma2 semaphore(%arg48 : memref<!tpu.dma_semaphore, #tpu.memory_space<semaphore_mem>>) src(%arg21 : memref<128x32xf32, #tpu.memory_space<vmem>>) dst(%dma_wait3A_180 : memref<128x32xf32, #tpu.memory_space<hbm>>)
    %add3A_181 = arith.constant 2560 : i32
    %add3A_182 = arith.addi %min3A_3, %add3A_181 : i32
    %dma_wait3A_183 = arith.constant 48 : i32
    %dma_wait3A_184 = tpu.memref_slice %arg10[%add3A_182, %dma_wait3A_183] : memref<100000x128xf32, #tpu.memory_space<hbm>> -> memref<128x32xf32, #tpu.memory_space<hbm>>
    %dma_wait3A_185 = arith.constant 48 : i32
    %dma_wait3A_186 = tpu.memref_slice %arg10[%add3A_182, %dma_wait3A_185] : memref<100000x128xf32, #tpu.memory_space<hbm>> -> memref<128x32xf32, #tpu.memory_space<hbm>>
    tpu.wait_dma2 semaphore(%arg48 : memref<!tpu.dma_semaphore, #tpu.memory_space<semaphore_mem>>) src(%arg22 : memref<128x32xf32, #tpu.memory_space<vmem>>) dst(%dma_wait3A_186 : memref<128x32xf32, #tpu.memory_space<hbm>>)
    %add3A_187 = arith.constant 2560 : i32
    %add3A_188 = arith.addi %min3A_3, %add3A_187 : i32
    %dma_wait3A_189 = arith.constant 80 : i32
    %dma_wait3A_190 = tpu.memref_slice %arg10[%add3A_188, %dma_wait3A_189] : memref<100000x128xf32, #tpu.memory_space<hbm>> -> memref<128x48xf32, #tpu.memory_space<hbm>>
    %dma_wait3A_191 = arith.constant 80 : i32
    %dma_wait3A_192 = tpu.memref_slice %arg10[%add3A_188, %dma_wait3A_191] : memref<100000x128xf32, #tpu.memory_space<hbm>> -> memref<128x48xf32, #tpu.memory_space<hbm>>
    tpu.wait_dma2 semaphore(%arg48 : memref<!tpu.dma_semaphore, #tpu.memory_space<semaphore_mem>>) src(%arg23 : memref<128x48xf32, #tpu.memory_space<vmem>>) dst(%dma_wait3A_192 : memref<128x48xf32, #tpu.memory_space<hbm>>)
    %add3A_193 = arith.constant 2688 : i32
    %add3A_194 = arith.addi %min3A_3, %add3A_193 : i32
    %dma_wait3A_195 = arith.constant 0 : i32
    %dma_wait3A_196 = tpu.memref_slice %arg10[%add3A_194, %dma_wait3A_195] : memref<100000x128xf32, #tpu.memory_space<hbm>> -> memref<128x16xf32, #tpu.memory_space<hbm>>
    %dma_wait3A_197 = arith.constant 0 : i32
    %dma_wait3A_198 = tpu.memref_slice %arg10[%add3A_194, %dma_wait3A_197] : memref<100000x128xf32, #tpu.memory_space<hbm>> -> memref<128x16xf32, #tpu.memory_space<hbm>>
    tpu.wait_dma2 semaphore(%arg49 : memref<!tpu.dma_semaphore, #tpu.memory_space<semaphore_mem>>) src(%arg24 : memref<128x16xf32, #tpu.memory_space<vmem>>) dst(%dma_wait3A_198 : memref<128x16xf32, #tpu.memory_space<hbm>>)
    %add3A_199 = arith.constant 2688 : i32
    %add3A_200 = arith.addi %min3A_3, %add3A_199 : i32
    %dma_wait3A_201 = arith.constant 16 : i32
    %dma_wait3A_202 = tpu.memref_slice %arg10[%add3A_200, %dma_wait3A_201] : memref<100000x128xf32, #tpu.memory_space<hbm>> -> memref<128x32xf32, #tpu.memory_space<hbm>>
    %dma_wait3A_203 = arith.constant 16 : i32
    %dma_wait3A_204 = tpu.memref_slice %arg10[%add3A_200, %dma_wait3A_203] : memref<100000x128xf32, #tpu.memory_space<hbm>> -> memref<128x32xf32, #tpu.memory_space<hbm>>
    tpu.wait_dma2 semaphore(%arg49 : memref<!tpu.dma_semaphore, #tpu.memory_space<semaphore_mem>>) src(%arg25 : memref<128x32xf32, #tpu.memory_space<vmem>>) dst(%dma_wait3A_204 : memref<128x32xf32, #tpu.memory_space<hbm>>)
    %add3A_205 = arith.constant 2688 : i32
    %add3A_206 = arith.addi %min3A_3, %add3A_205 : i32
    %dma_wait3A_207 = arith.constant 48 : i32
    %dma_wait3A_208 = tpu.memref_slice %arg10[%add3A_206, %dma_wait3A_207] : memref<100000x128xf32, #tpu.memory_space<hbm>> -> memref<128x32xf32, #tpu.memory_space<hbm>>
    %dma_wait3A_209 = arith.constant 48 : i32
    %dma_wait3A_210 = tpu.memref_slice %arg10[%add3A_206, %dma_wait3A_209] : memref<100000x128xf32, #tpu.memory_space<hbm>> -> memref<128x32xf32, #tpu.memory_space<hbm>>
    tpu.wait_dma2 semaphore(%arg49 : memref<!tpu.dma_semaphore, #tpu.memory_space<semaphore_mem>>) src(%arg26 : memref<128x32xf32, #tpu.memory_space<vmem>>) dst(%dma_wait3A_210 : memref<128x32xf32, #tpu.memory_space<hbm>>)
    %add3A_211 = arith.constant 2688 : i32
    %add3A_212 = arith.addi %min3A_3, %add3A_211 : i32
    %dma_wait3A_213 = arith.constant 80 : i32
    %dma_wait3A_214 = tpu.memref_slice %arg10[%add3A_212, %dma_wait3A_213] : memref<100000x128xf32, #tpu.memory_space<hbm>> -> memref<128x48xf32, #tpu.memory_space<hbm>>
    %dma_wait3A_215 = arith.constant 80 : i32
    %dma_wait3A_216 = tpu.memref_slice %arg10[%add3A_212, %dma_wait3A_215] : memref<100000x128xf32, #tpu.memory_space<hbm>> -> memref<128x48xf32, #tpu.memory_space<hbm>>
    tpu.wait_dma2 semaphore(%arg49 : memref<!tpu.dma_semaphore, #tpu.memory_space<semaphore_mem>>) src(%arg27 : memref<128x48xf32, #tpu.memory_space<vmem>>) dst(%dma_wait3A_216 : memref<128x48xf32, #tpu.memory_space<hbm>>)
    %add3A_217 = arith.constant 2816 : i32
    %add3A_218 = arith.addi %min3A_3, %add3A_217 : i32
    %dma_wait3A_219 = arith.constant 0 : i32
    %dma_wait3A_220 = tpu.memref_slice %arg10[%add3A_218, %dma_wait3A_219] : memref<100000x128xf32, #tpu.memory_space<hbm>> -> memref<128x16xf32, #tpu.memory_space<hbm>>
    %dma_wait3A_221 = arith.constant 0 : i32
    %dma_wait3A_222 = tpu.memref_slice %arg10[%add3A_218, %dma_wait3A_221] : memref<100000x128xf32, #tpu.memory_space<hbm>> -> memref<128x16xf32, #tpu.memory_space<hbm>>
    tpu.wait_dma2 semaphore(%arg50 : memref<!tpu.dma_semaphore, #tpu.memory_space<semaphore_mem>>) src(%arg28 : memref<128x16xf32, #tpu.memory_space<vmem>>) dst(%dma_wait3A_222 : memref<128x16xf32, #tpu.memory_space<hbm>>)
    %add3A_223 = arith.constant 2816 : i32
    %add3A_224 = arith.addi %min3A_3, %add3A_223 : i32
    %dma_wait3A_225 = arith.constant 16 : i32
    %dma_wait3A_226 = tpu.memref_slice %arg10[%add3A_224, %dma_wait3A_225] : memref<100000x128xf32, #tpu.memory_space<hbm>> -> memref<128x32xf32, #tpu.memory_space<hbm>>
    %dma_wait3A_227 = arith.constant 16 : i32
    %dma_wait3A_228 = tpu.memref_slice %arg10[%add3A_224, %dma_wait3A_227] : memref<100000x128xf32, #tpu.memory_space<hbm>> -> memref<128x32xf32, #tpu.memory_space<hbm>>
    tpu.wait_dma2 semaphore(%arg50 : memref<!tpu.dma_semaphore, #tpu.memory_space<semaphore_mem>>) src(%arg29 : memref<128x32xf32, #tpu.memory_space<vmem>>) dst(%dma_wait3A_228 : memref<128x32xf32, #tpu.memory_space<hbm>>)
    %add3A_229 = arith.constant 2816 : i32
    %add3A_230 = arith.addi %min3A_3, %add3A_229 : i32
    %dma_wait3A_231 = arith.constant 48 : i32
    %dma_wait3A_232 = tpu.memref_slice %arg10[%add3A_230, %dma_wait3A_231] : memref<100000x128xf32, #tpu.memory_space<hbm>> -> memref<128x32xf32, #tpu.memory_space<hbm>>
    %dma_wait3A_233 = arith.constant 48 : i32
    %dma_wait3A_234 = tpu.memref_slice %arg10[%add3A_230, %dma_wait3A_233] : memref<100000x128xf32, #tpu.memory_space<hbm>> -> memref<128x32xf32, #tpu.memory_space<hbm>>
    tpu.wait_dma2 semaphore(%arg50 : memref<!tpu.dma_semaphore, #tpu.memory_space<semaphore_mem>>) src(%arg30 : memref<128x32xf32, #tpu.memory_space<vmem>>) dst(%dma_wait3A_234 : memref<128x32xf32, #tpu.memory_space<hbm>>)
    %add3A_235 = arith.constant 2816 : i32
    %add3A_236 = arith.addi %min3A_3, %add3A_235 : i32
    %dma_wait3A_237 = arith.constant 80 : i32
    %dma_wait3A_238 = tpu.memref_slice %arg10[%add3A_236, %dma_wait3A_237] : memref<100000x128xf32, #tpu.memory_space<hbm>> -> memref<128x48xf32, #tpu.memory_space<hbm>>
    %dma_wait3A_239 = arith.constant 80 : i32
    %dma_wait3A_240 = tpu.memref_slice %arg10[%add3A_236, %dma_wait3A_239] : memref<100000x128xf32, #tpu.memory_space<hbm>> -> memref<128x48xf32, #tpu.memory_space<hbm>>
    tpu.wait_dma2 semaphore(%arg50 : memref<!tpu.dma_semaphore, #tpu.memory_space<semaphore_mem>>) src(%arg31 : memref<128x48xf32, #tpu.memory_space<vmem>>) dst(%dma_wait3A_240 : memref<128x48xf32, #tpu.memory_space<hbm>>)
    %add3A_241 = arith.constant 2944 : i32
    %add3A_242 = arith.addi %min3A_3, %add3A_241 : i32
    %dma_wait3A_243 = arith.constant 0 : i32
    %dma_wait3A_244 = tpu.memref_slice %arg10[%add3A_242, %dma_wait3A_243] : memref<100000x128xf32, #tpu.memory_space<hbm>> -> memref<128x16xf32, #tpu.memory_space<hbm>>
    %dma_wait3A_245 = arith.constant 0 : i32
    %dma_wait3A_246 = tpu.memref_slice %arg10[%add3A_242, %dma_wait3A_245] : memref<100000x128xf32, #tpu.memory_space<hbm>> -> memref<128x16xf32, #tpu.memory_space<hbm>>
    tpu.wait_dma2 semaphore(%arg51 : memref<!tpu.dma_semaphore, #tpu.memory_space<semaphore_mem>>) src(%arg32 : memref<128x16xf32, #tpu.memory_space<vmem>>) dst(%dma_wait3A_246 : memref<128x16xf32, #tpu.memory_space<hbm>>)
    %add3A_247 = arith.constant 2944 : i32
    %add3A_248 = arith.addi %min3A_3, %add3A_247 : i32
    %dma_wait3A_249 = arith.constant 16 : i32
    %dma_wait3A_250 = tpu.memref_slice %arg10[%add3A_248, %dma_wait3A_249] : memref<100000x128xf32, #tpu.memory_space<hbm>> -> memref<128x32xf32, #tpu.memory_space<hbm>>
    %dma_wait3A_251 = arith.constant 16 : i32
    %dma_wait3A_252 = tpu.memref_slice %arg10[%add3A_248, %dma_wait3A_251] : memref<100000x128xf32, #tpu.memory_space<hbm>> -> memref<128x32xf32, #tpu.memory_space<hbm>>
    tpu.wait_dma2 semaphore(%arg51 : memref<!tpu.dma_semaphore, #tpu.memory_space<semaphore_mem>>) src(%arg33 : memref<128x32xf32, #tpu.memory_space<vmem>>) dst(%dma_wait3A_252 : memref<128x32xf32, #tpu.memory_space<hbm>>)
    %add3A_253 = arith.constant 2944 : i32
    %add3A_254 = arith.addi %min3A_3, %add3A_253 : i32
    %dma_wait3A_255 = arith.constant 48 : i32
    %dma_wait3A_256 = tpu.memref_slice %arg10[%add3A_254, %dma_wait3A_255] : memref<100000x128xf32, #tpu.memory_space<hbm>> -> memref<128x32xf32, #tpu.memory_space<hbm>>
    %dma_wait3A_257 = arith.constant 48 : i32
    %dma_wait3A_258 = tpu.memref_slice %arg10[%add3A_254, %dma_wait3A_257] : memref<100000x128xf32, #tpu.memory_space<hbm>> -> memref<128x32xf32, #tpu.memory_space<hbm>>
    tpu.wait_dma2 semaphore(%arg51 : memref<!tpu.dma_semaphore, #tpu.memory_space<semaphore_mem>>) src(%arg34 : memref<128x32xf32, #tpu.memory_space<vmem>>) dst(%dma_wait3A_258 : memref<128x32xf32, #tpu.memory_space<hbm>>)
    %add3A_259 = arith.constant 2944 : i32
    %add3A_260 = arith.addi %min3A_3, %add3A_259 : i32
    %dma_wait3A_261 = arith.constant 80 : i32
    %dma_wait3A_262 = tpu.memref_slice %arg10[%add3A_260, %dma_wait3A_261] : memref<100000x128xf32, #tpu.memory_space<hbm>> -> memref<128x48xf32, #tpu.memory_space<hbm>>
    %dma_wait3A_263 = arith.constant 80 : i32
    %dma_wait3A_264 = tpu.memref_slice %arg10[%add3A_260, %dma_wait3A_263] : memref<100000x128xf32, #tpu.memory_space<hbm>> -> memref<128x48xf32, #tpu.memory_space<hbm>>
    tpu.wait_dma2 semaphore(%arg51 : memref<!tpu.dma_semaphore, #tpu.memory_space<semaphore_mem>>) src(%arg35 : memref<128x48xf32, #tpu.memory_space<vmem>>) dst(%dma_wait3A_264 : memref<128x48xf32, #tpu.memory_space<hbm>>)
    %dma_wait3A_265 = arith.constant 0 : i32
    %dma_wait3A_266 = arith.constant 3072 : i32
    %dma_wait3A_267 = tpu.memref_slice %arg11[%dma_wait3A_265, %dma_wait3A_266] : memref<4x3128xi32, #tpu.memory_space<vmem>> -> memref<1x56xi32, #tpu.memory_space<vmem>>
    %dma_wait3A_268 = tpu.memref_squeeze %dma_wait3A_267 : memref<1x56xi32, #tpu.memory_space<vmem>> -> memref<56xi32, #tpu.memory_space<vmem>>
    %dma_wait3A_269 = arith.constant 0 : i32
    %dma_wait3A_270 = arith.constant 0 : i32
    %dma_wait3A_271 = tpu.memref_slice %arg6[%dma_wait3A_269, %dma_wait3A_270] : memref<128x16xf32, #tpu.memory_space<hbm>> -> memref<128x16xf32, #tpu.memory_space<hbm>>
    tpu.wait_indirect_dma semaphore(%arg52 : memref<!tpu.dma_semaphore, #tpu.memory_space<semaphore_mem>>) src(%dma_wait3A_271 : memref<128x16xf32, #tpu.memory_space<hbm>>) dst(%arg36 : memref<56x16xf32, #tpu.memory_space<vmem>>)
    %dma_wait3A_272 = arith.constant 1 : i32
    %dma_wait3A_273 = arith.constant 3072 : i32
    %dma_wait3A_274 = tpu.memref_slice %arg11[%dma_wait3A_272, %dma_wait3A_273] : memref<4x3128xi32, #tpu.memory_space<vmem>> -> memref<1x56xi32, #tpu.memory_space<vmem>>
    %dma_wait3A_275 = tpu.memref_squeeze %dma_wait3A_274 : memref<1x56xi32, #tpu.memory_space<vmem>> -> memref<56xi32, #tpu.memory_space<vmem>>
    %dma_wait3A_276 = arith.constant 0 : i32
    %dma_wait3A_277 = arith.constant 0 : i32
    %dma_wait3A_278 = tpu.memref_slice %arg7[%dma_wait3A_276, %dma_wait3A_277] : memref<1024x32xf32, #tpu.memory_space<hbm>> -> memref<1024x32xf32, #tpu.memory_space<hbm>>
    tpu.wait_indirect_dma semaphore(%arg52 : memref<!tpu.dma_semaphore, #tpu.memory_space<semaphore_mem>>) src(%dma_wait3A_278 : memref<1024x32xf32, #tpu.memory_space<hbm>>) dst(%arg37 : memref<56x32xf32, #tpu.memory_space<vmem>>)
    %dma_wait3A_279 = arith.constant 2 : i32
    %dma_wait3A_280 = arith.constant 3072 : i32
    %dma_wait3A_281 = tpu.memref_slice %arg11[%dma_wait3A_279, %dma_wait3A_280] : memref<4x3128xi32, #tpu.memory_space<vmem>> -> memref<1x56xi32, #tpu.memory_space<vmem>>
    %dma_wait3A_282 = tpu.memref_squeeze %dma_wait3A_281 : memref<1x56xi32, #tpu.memory_space<vmem>> -> memref<56xi32, #tpu.memory_space<vmem>>
    %dma_wait3A_283 = arith.constant 0 : i32
    %dma_wait3A_284 = arith.constant 0 : i32
    %dma_wait3A_285 = tpu.memref_slice %arg8[%dma_wait3A_283, %dma_wait3A_284] : memref<16384x32xf32, #tpu.memory_space<hbm>> -> memref<16384x32xf32, #tpu.memory_space<hbm>>
    tpu.wait_indirect_dma semaphore(%arg52 : memref<!tpu.dma_semaphore, #tpu.memory_space<semaphore_mem>>) src(%dma_wait3A_285 : memref<16384x32xf32, #tpu.memory_space<hbm>>) dst(%arg38 : memref<56x32xf32, #tpu.memory_space<vmem>>)
    %dma_wait3A_286 = arith.constant 3 : i32
    %dma_wait3A_287 = arith.constant 3072 : i32
    %dma_wait3A_288 = tpu.memref_slice %arg11[%dma_wait3A_286, %dma_wait3A_287] : memref<4x3128xi32, #tpu.memory_space<vmem>> -> memref<1x56xi32, #tpu.memory_space<vmem>>
    %dma_wait3A_289 = tpu.memref_squeeze %dma_wait3A_288 : memref<1x56xi32, #tpu.memory_space<vmem>> -> memref<56xi32, #tpu.memory_space<vmem>>
    %dma_wait3A_290 = arith.constant 0 : i32
    %dma_wait3A_291 = arith.constant 0 : i32
    %dma_wait3A_292 = tpu.memref_slice %arg9[%dma_wait3A_290, %dma_wait3A_291] : memref<100000x48xf32, #tpu.memory_space<hbm>> -> memref<100000x48xf32, #tpu.memory_space<hbm>>
    tpu.wait_indirect_dma semaphore(%arg52 : memref<!tpu.dma_semaphore, #tpu.memory_space<semaphore_mem>>) src(%dma_wait3A_292 : memref<100000x48xf32, #tpu.memory_space<hbm>>) dst(%arg39 : memref<56x48xf32, #tpu.memory_space<vmem>>)
    %add3A_293 = arith.constant 3072 : i32
    %add3A_294 = arith.addi %min3A_3, %add3A_293 : i32
    "tpu.region"() ({
      %run_scoped3A_301 = tpu.sem_alloc : memref<!tpu.dma_semaphore, #tpu.memory_space<semaphore_mem>>
      %dma_start3A_302 = arith.constant 0 : i32
      %dma_start3A_303 = tpu.memref_slice %arg10[%add3A_294, %dma_start3A_302] : memref<100000x128xf32, #tpu.memory_space<hbm>> -> memref<56x16xf32, #tpu.memory_space<hbm>>
      %dma_start3A_304 = arith.constant 0 : i32
      %dma_start3A_305 = tpu.memref_slice %arg10[%add3A_294, %dma_start3A_304] : memref<100000x128xf32, #tpu.memory_space<hbm>> -> memref<56x16xf32, #tpu.memory_space<hbm>>
      tpu.enqueue_dma source(%arg36 : memref<56x16xf32, #tpu.memory_space<vmem>>) target(%dma_start3A_305 : memref<56x16xf32, #tpu.memory_space<hbm>>) target_semaphore(%run_scoped3A_301 : memref<!tpu.dma_semaphore, #tpu.memory_space<semaphore_mem>>)
      %dma_wait3A_306 = arith.constant 0 : i32
      %dma_wait3A_307 = tpu.memref_slice %arg10[%add3A_294, %dma_wait3A_306] : memref<100000x128xf32, #tpu.memory_space<hbm>> -> memref<56x16xf32, #tpu.memory_space<hbm>>
      %dma_wait3A_308 = arith.constant 0 : i32
      %dma_wait3A_309 = tpu.memref_slice %arg10[%add3A_294, %dma_wait3A_308] : memref<100000x128xf32, #tpu.memory_space<hbm>> -> memref<56x16xf32, #tpu.memory_space<hbm>>
      tpu.wait_dma2 semaphore(%run_scoped3A_301 : memref<!tpu.dma_semaphore, #tpu.memory_space<semaphore_mem>>) src(%arg36 : memref<56x16xf32, #tpu.memory_space<vmem>>) dst(%dma_wait3A_309 : memref<56x16xf32, #tpu.memory_space<hbm>>)
      tpu.yield
    }) : () -> ()
    %add3A_295 = arith.constant 3072 : i32
    %add3A_296 = arith.addi %min3A_3, %add3A_295 : i32
    "tpu.region"() ({
      %run_scoped3A_301 = tpu.sem_alloc : memref<!tpu.dma_semaphore, #tpu.memory_space<semaphore_mem>>
      %dma_start3A_302 = arith.constant 16 : i32
      %dma_start3A_303 = tpu.memref_slice %arg10[%add3A_296, %dma_start3A_302] : memref<100000x128xf32, #tpu.memory_space<hbm>> -> memref<56x32xf32, #tpu.memory_space<hbm>>
      %dma_start3A_304 = arith.constant 16 : i32
      %dma_start3A_305 = tpu.memref_slice %arg10[%add3A_296, %dma_start3A_304] : memref<100000x128xf32, #tpu.memory_space<hbm>> -> memref<56x32xf32, #tpu.memory_space<hbm>>
      tpu.enqueue_dma source(%arg37 : memref<56x32xf32, #tpu.memory_space<vmem>>) target(%dma_start3A_305 : memref<56x32xf32, #tpu.memory_space<hbm>>) target_semaphore(%run_scoped3A_301 : memref<!tpu.dma_semaphore, #tpu.memory_space<semaphore_mem>>)
      %dma_wait3A_306 = arith.constant 16 : i32
      %dma_wait3A_307 = tpu.memref_slice %arg10[%add3A_296, %dma_wait3A_306] : memref<100000x128xf32, #tpu.memory_space<hbm>> -> memref<56x32xf32, #tpu.memory_space<hbm>>
      %dma_wait3A_308 = arith.constant 16 : i32
      %dma_wait3A_309 = tpu.memref_slice %arg10[%add3A_296, %dma_wait3A_308] : memref<100000x128xf32, #tpu.memory_space<hbm>> -> memref<56x32xf32, #tpu.memory_space<hbm>>
      tpu.wait_dma2 semaphore(%run_scoped3A_301 : memref<!tpu.dma_semaphore, #tpu.memory_space<semaphore_mem>>) src(%arg37 : memref<56x32xf32, #tpu.memory_space<vmem>>) dst(%dma_wait3A_309 : memref<56x32xf32, #tpu.memory_space<hbm>>)
      tpu.yield
    }) : () -> ()
    %add3A_297 = arith.constant 3072 : i32
    %add3A_298 = arith.addi %min3A_3, %add3A_297 : i32
    "tpu.region"() ({
      %run_scoped3A_301 = tpu.sem_alloc : memref<!tpu.dma_semaphore, #tpu.memory_space<semaphore_mem>>
      %dma_start3A_302 = arith.constant 48 : i32
      %dma_start3A_303 = tpu.memref_slice %arg10[%add3A_298, %dma_start3A_302] : memref<100000x128xf32, #tpu.memory_space<hbm>> -> memref<56x32xf32, #tpu.memory_space<hbm>>
      %dma_start3A_304 = arith.constant 48 : i32
      %dma_start3A_305 = tpu.memref_slice %arg10[%add3A_298, %dma_start3A_304] : memref<100000x128xf32, #tpu.memory_space<hbm>> -> memref<56x32xf32, #tpu.memory_space<hbm>>
      tpu.enqueue_dma source(%arg38 : memref<56x32xf32, #tpu.memory_space<vmem>>) target(%dma_start3A_305 : memref<56x32xf32, #tpu.memory_space<hbm>>) target_semaphore(%run_scoped3A_301 : memref<!tpu.dma_semaphore, #tpu.memory_space<semaphore_mem>>)
      %dma_wait3A_306 = arith.constant 48 : i32
      %dma_wait3A_307 = tpu.memref_slice %arg10[%add3A_298, %dma_wait3A_306] : memref<100000x128xf32, #tpu.memory_space<hbm>> -> memref<56x32xf32, #tpu.memory_space<hbm>>
      %dma_wait3A_308 = arith.constant 48 : i32
      %dma_wait3A_309 = tpu.memref_slice %arg10[%add3A_298, %dma_wait3A_308] : memref<100000x128xf32, #tpu.memory_space<hbm>> -> memref<56x32xf32, #tpu.memory_space<hbm>>
      tpu.wait_dma2 semaphore(%run_scoped3A_301 : memref<!tpu.dma_semaphore, #tpu.memory_space<semaphore_mem>>) src(%arg38 : memref<56x32xf32, #tpu.memory_space<vmem>>) dst(%dma_wait3A_309 : memref<56x32xf32, #tpu.memory_space<hbm>>)
      tpu.yield
    }) : () -> ()
    %add3A_299 = arith.constant 3072 : i32
    %add3A_300 = arith.addi %min3A_3, %add3A_299 : i32
    "tpu.region"() ({
      %run_scoped3A_301 = tpu.sem_alloc : memref<!tpu.dma_semaphore, #tpu.memory_space<semaphore_mem>>
      %dma_start3A_302 = arith.constant 80 : i32
      %dma_start3A_303 = tpu.memref_slice %arg10[%add3A_300, %dma_start3A_302] : memref<100000x128xf32, #tpu.memory_space<hbm>> -> memref<56x48xf32, #tpu.memory_space<hbm>>
      %dma_start3A_304 = arith.constant 80 : i32
      %dma_start3A_305 = tpu.memref_slice %arg10[%add3A_300, %dma_start3A_304] : memref<100000x128xf32, #tpu.memory_space<hbm>> -> memref<56x48xf32, #tpu.memory_space<hbm>>
      tpu.enqueue_dma source(%arg39 : memref<56x48xf32, #tpu.memory_space<vmem>>) target(%dma_start3A_305 : memref<56x48xf32, #tpu.memory_space<hbm>>) target_semaphore(%run_scoped3A_301 : memref<!tpu.dma_semaphore, #tpu.memory_space<semaphore_mem>>)
      %dma_wait3A_306 = arith.constant 80 : i32
      %dma_wait3A_307 = tpu.memref_slice %arg10[%add3A_300, %dma_wait3A_306] : memref<100000x128xf32, #tpu.memory_space<hbm>> -> memref<56x48xf32, #tpu.memory_space<hbm>>
      %dma_wait3A_308 = arith.constant 80 : i32
      %dma_wait3A_309 = tpu.memref_slice %arg10[%add3A_300, %dma_wait3A_308] : memref<100000x128xf32, #tpu.memory_space<hbm>> -> memref<56x48xf32, #tpu.memory_space<hbm>>
      tpu.wait_dma2 semaphore(%run_scoped3A_301 : memref<!tpu.dma_semaphore, #tpu.memory_space<semaphore_mem>>) src(%arg39 : memref<56x48xf32, #tpu.memory_space<vmem>>) dst(%dma_wait3A_309 : memref<56x48xf32, #tpu.memory_space<hbm>>)
      tpu.yield
    }) : () -> ()
    return
  }
}

</mosaic_0001>

<sc_bundles>
// kernel: kernel.3.cloned.1.call-start
scs
__scs_entry_jumppad:
0x0: {  	(pc) =	sbr.rel $0x88, $3  }
0x1: {  	(tag) =	ssettag $0x0;
	lr =	simm.s32 $0x1  }
0x2: {  	[smem:$0x3F9C] =	sst lr;
	_ =	strace $0xD0000000  }
0x3: {  	_ = 	snop  }
0x4: {  	_ = 	snop  }
0x5: {  	_ = 	snop  }
0x6: {  	_ = 	snop  }
0x7: {  	_ = 	snop  }
__scs_overlays_trampoline_lowered:
0x8: {  	[smem:$0x3FAB] =	sst s0  }
0x9: {  	[smem:$0x3FAC] =	sst s1  }
0xa: {  	[smem:$0x3FAD] =	sst s2  }
0xb: {  	[smem:$0x3FAE] =	sst s3  }
0xc: {  	[smem:$0x3FAF] =	sst s4  }
0xd: {  	[smem:$0x3FB0] =	sst s5  }
0xe: {  	[smem:$0x3FB1] =	sst s6  }
0xf: {  	[smem:$0x3FB2] =	sst s7  }
0x10: {  	[smem:$0x3FB3] =	sst s8  }
0x11: {  	[smem:$0x3FB4] =	sst s9;
	s0 =	simm.s32 @!p0 $0x0  }
0x12: {  	s1 =	sld [smem:$0x3F9A];
	s0 =	simm.s32 @p0 $0x1  }
0x13: {  	[smem:$0x3FB5] =	sst s0;
	s0 =	simm.s32 @!p1 $0x0  }
0x14: {  	s2 =	sld [smem:$0x3F99];
	s0 =	simm.s32 @p1 $0x1  }
0x15: {  	[smem:$0x3FB6] =	sst s0;
	s0 =	simm.s32 @!p2 $0x0  }
0x16: {  	s3 =	sld [smem:$0x3FDB];
	s0 =	simm.s32 @p2 $0x1  }
0x17: {  	s4 =	simm.s32 $0x1BF5;
	[smem:$0x3FB8] =	sst s0  }
0x18: {  	s0 =	sld [smem:$0x3F9B];
	_ =	swait.ge [sflag:s4], $0x0  }
0x19: {  	s7 =	sld [smem:$0x3F9C]  }
0x1a: {  	s8 =	sadd.s32 $0xFFFFE003, lr  }
0x1b: {  	s9 =	sadd.s32 $0xFFFFFEF7, lr;
	s5 =	simm.s32 $0xFFFFFFFF;
	p2 =	slt.u32 s8, $0xFFFFF086  }
0x1c: {  	p1 =	slt.u32 s9, $0xF7A;
	s5 =	simm.s32 @!p2 $0x0  }
0x1d: {  	s5 =	simm.s32 @p1 $0x1;
	p0 =	seq.s32 s7, s2  }
0x1e: {  	s7 =	smul.u32 @!p0 $0xF7A, s2;
	p2 =	seq.s32 @!p0 s5, $0x0  }
0x1f: {  	s9 =	smul.u32 $0xF7A, s1;
	s8 =	simm.s32 @!p0 $0x1BF5;
	p2 =	por !p2, p0  }
0x20: {  	[sflag:s8] =	ssyncset.s32 @!p0 $0xFFFFF086;
	s6 =	sadd.s32 @!p0 s3, s7;
	s7 =	simm.s32 @!p0 $0x108  }
0x21: {  	s3 =	sadd.s32 s3, s9;
	s6 =	sadd.s32 @!p0 $0x88, s6;
	s7 =	simm.s32 @p2 $0x1082  }
0x22: {  	[simem:s7], [sflag:s8] =	dma.local @!p0 [hbm:s6], $0xF7A  }
0x23: {  	s9 =	sor.u32 $0xD0000000, s2;
	s6 =	simm.s32 $0x108;
	_ =	swait.ge @!p0 [sflag:s8], $0x0  }
0x24: {  	s3 =	sadd.s32 $0x88, s3;
	s6 =	simm.s32 @!p1 $0x1082;
	[sflag:s4] =	ssyncset.s32 $0xFFFFF086  }
0x25: {  	[simem:s6], [sflag:s4] =	dma.local [hbm:s3], $0xF7A  }
0x26: {  	[smem:$0x3F9C] =	sst s1;
	(tag) =	ssettag s2;
	_ =	strace s9  }
0x27: {  	s1 =	sld [smem:$0x3FAC]  }
0x28: {  	s2 =	sld [smem:$0x3FAD]  }
0x29: {  	s4 =	sld [smem:$0x3FAF]  }
0x2a: {  	p0 =	seq.s32 s5, $0x0;
	s5 =	sld [smem:$0x3FB0]  }
0x2b: {  	s6 =	sld [smem:$0x3FB1]  }
0x2c: {  	s7 =	sld [smem:$0x3FB2]  }
0x2d: {  	s3 =	simm.s32 $0x108;
	s8 =	sld [smem:$0x3FB3]  }
0x2e: {  	s3 =	simm.s32 @!p0 $0x1082;
	s9 =	sld [smem:$0x3FB4]  }
0x2f: {  	lr =	sadd.s32 s0, s3;
	s0 =	sld [smem:$0x3FAB]  }
0x30: {  	s3 =	sld [smem:$0x3FAE]  }
0x31: {  	[smem:$0x3FB7] =	sst s10  }
0x32: {  	s10 =	sld [smem:$0x3FB5];
	_ =	sdelay $0x3  }
0x33: {  	p0 =	seq.s32 s10, $0x1;
	s10 =	sld [smem:$0x3FB7];
	_ =	sdelay $0x3  }
0x34: {  	[smem:$0x3FB7] =	sst s10  }
0x35: {  	s10 =	sld [smem:$0x3FB6];
	_ =	sdelay $0x3  }
0x36: {  	p1 =	seq.s32 s10, $0x1;
	s10 =	sld [smem:$0x3FB7];
	_ =	sdelay $0x3  }
0x37: {  	[smem:$0x3FB7] =	sst s10  }
0x38: {  	s10 =	sld [smem:$0x3FB8]  }
0x39: {  	_ = 	snop;
	(pc) =	sbr.ind lr, $3  }
0x3a: {  	_ = 	snop  }
0x3b: {  	_ = 	snop  }
0x3c: {  	p2 =	seq.s32 s10, $0x1;
	s10 =	sld [smem:$0x3FB7]  }
0x3d: {  	_ =	shalt  }
0x3e: {  	_ =	shalt  }
0x3f: {  	_ =	shalt  }
0x40: {  	_ =	shalt  }
0x41: {  	_ =	shalt  }
0x42: {  	_ =	shalt  }
0x43: {  	_ =	shalt  }
0x44: {  	_ =	shalt  }
0x45: {  	_ =	shalt  }
0x46: {  	_ =	shalt  }
0x47: {  	_ =	shalt  }
0x48: {  	_ =	shalt  }
0x49: {  	_ =	shalt  }
0x4a: {  	_ =	shalt  }
0x4b: {  	_ =	shalt  }
0x4c: {  	_ =	shalt  }
0x4d: {  	_ =	shalt  }
0x4e: {  	_ =	shalt  }
0x4f: {  	_ =	shalt  }
0x50: {  	_ =	shalt  }
0x51: {  	_ =	shalt  }
0x52: {  	_ =	shalt  }
0x53: {  	_ =	shalt  }
0x54: {  	_ =	shalt  }
0x55: {  	_ =	shalt  }
0x56: {  	_ =	shalt  }
0x57: {  	_ =	shalt  }
0x58: {  	_ =	shalt  }
0x59: {  	_ =	shalt  }
0x5a: {  	_ =	shalt  }
0x5b: {  	_ =	shalt  }
0x5c: {  	_ =	shalt  }
0x5d: {  	_ =	shalt  }
0x5e: {  	_ =	shalt  }
0x5f: {  	_ =	shalt  }
0x60: {  	_ =	shalt  }
0x61: {  	_ =	shalt  }
0x62: {  	_ =	shalt  }
0x63: {  	_ =	shalt  }
0x64: {  	_ =	shalt  }
0x65: {  	_ =	shalt  }
0x66: {  	_ =	shalt  }
0x67: {  	_ =	shalt  }
0x68: {  	_ =	shalt  }
0x69: {  	_ =	shalt  }
0x6a: {  	_ =	shalt  }
0x6b: {  	_ =	shalt  }
0x6c: {  	_ =	shalt  }
0x6d: {  	_ =	shalt  }
0x6e: {  	_ =	shalt  }
0x6f: {  	_ =	shalt  }
0x70: {  	_ =	shalt  }
0x71: {  	_ =	shalt  }
0x72: {  	_ =	shalt  }
0x73: {  	_ =	shalt  }
0x74: {  	_ =	shalt  }
0x75: {  	_ =	shalt  }
0x76: {  	_ =	shalt  }
0x77: {  	_ =	shalt  }
0x78: {  	_ =	shalt  }
0x79: {  	_ =	shalt  }
0x7a: {  	_ =	shalt  }
0x7b: {  	_ =	shalt  }
0x7c: {  	_ =	shalt  }
0x7d: {  	_ =	shalt  }
0x7e: {  	_ =	shalt  }
0x7f: {  	_ =	shalt  }
0x80: {  	_ =	shalt  }
0x81: {  	_ =	shalt  }
0x82: {  	_ =	shalt  }
0x83: {  	_ =	shalt  }
0x84: {  	_ =	shalt  }
0x85: {  	_ =	shalt  }
0x86: {  	_ =	shalt  }
0x87: {  	_ =	shalt  }
.Lfunc_end0:
.L_simem_size_0:
called_computation_lowered:
.L_overlay_start_0:
0x88: {  	s2 =	sld [smem:$0x3FD9]  }
0x89: {  	s3 =	sld [smem:$0x3FFE];
	_ =	sdelay $0x1  }
0x8a: {  	s1 =	srdreg.scid  }
0x8b: {  	s0 =	sand.u32 $0x1, s1  }
0x8c: {  	s17 =	sshll.u32 s0, $0xA;
	s2 =	sadd.s32 s3, s2  }
0x8d: {  	s2 =	sadd.s32 s2, s17  }
0x8e: {  	[smem:$0x3FC3] =	sst s2  }
0x8f: {  	_ = 	snop  }
0x90: {  	s2 =	sld [smem:$0x3FD0];
	(tm) =	ssettm $0x1  }
0x91: {  	s18 =	sld [smem:$0x3FFB];
	_ =	sdelay $0x3  }
0x92: {  	_ =	strace s18  }
0x93: {  	s3 =	sld [smem:$0x3FFC];
	_ =	sdelay $0x3  }
0x94: {  	_ =	strace s3  }
0x95: {  	s3 =	sld [smem:$0x3FFD];
	_ =	sdelay $0x3  }
0x96: {  	_ =	strace s3  }
0x97: {  	_ =	strace $0x8FFFFFFF  }
0x98: {  	s19 =	sld [smem:$0x3FDB];
	_ =	sdelay $0x1  }
0x99: {  	s4 =	simm.s32 $_scs_section_size  }
0x9a: {  	s5 =	simm.s32 $_size__tile_overlayer_lowered;
	s6 =	simm.s32 $_tile_overlayer_lowered  }
0x9b: {  	s22 =	simm.s32 $0x1BFF;
	s21 =	sshll.u32 s6, $0x1;
	s3 =	sadd.s32 s4, s19  }
0x9c: {  	s7 =	simm.s32 $0x0;
	s20 =	sshll.u32 s5, $0x1;
	s5 =	sadd.s32 s21, s3  }
0x9d: {  	[timem:s7], [sflag:s22] =	dma.local [hbm:s5], s20  }
0x9e: {  	_ =	swait.ge [sflag:s22], s20  }
0x9f: {  	s4 =	ssub.s32 $0x0, s20;
	[sflag:s22] =	ssyncset.done $0x0  }
0xa0: {  	[sflag:s22] =	ssyncadd.s32 s4;
	_ =	sdelay $0x1  }
0xa1: {  	s23 =	simm.s32 $0x1B8B  }
0xa2: {  	_ =	swait.ge [sflag:s23], $0x1  }
0xa3: {  	[sflag:s23] =	ssyncset.done $0x0  }
0xa4: {  	s25 =	simm.s32 $0x1B8E;
	s24 =	sld [smem:$0x3FFE];
	[sflag:s23] =	ssyncadd.s32 $0xFFFFFFFF  }
0xa5: {  	s26 =	simm.s32 $execute0_lowered;
	[smem:$0x3FD2] =	sst s25  }
0xa6: {  	s5 =	sshll.u32 s26, $0x1;
	_ =	strace $0x80000046;
	[dreg:$0x1] =	wrdreg $0xFFFFFFFF  }
0xa7: {  	s28 =	simm.s32 $_size_execute0_lowered;
	s3 =	sadd.s32 s3, s5;
	[dreg:$0x0] =	wrdreg $0x0  }
0xa8: {  	s5 =	sshll.u32 s28, $0x1;
	[dreg:$0x2] =	wrdreg s3  }
0xa9: {  	[dreg:$0x3] =	wrdreg s5  }
0xaa: {  	[dreg:$0x4] =	wrdreg $0xC0  }
0xab: {  	_ =	task [dreg:s7], $0x5FFFF  }
0xac: {  	[dreg:$0x1] =	wrdreg $0xFFFFFFFF  }
0xad: {  	[dreg:$0x0] =	wrdreg $0x60  }
0xae: {  	[dreg:$0x2] =	wrdreg s24  }
0xaf: {  	[dreg:$0x3] =	wrdreg s2  }
0xb0: {  	[dreg:$0x4] =	wrdreg $0x9  }
0xb1: {  	_ =	task.clear_ibuf [dreg:s7], $0x5FFFF;
	_ =	strace $0x90000046  }
0xb2: {  	s29 =	simm.s32 $0x9;
	_ =	strace $0x80000048  }
0xb3: {  	_ =	swait.ge [sflag:s29], $0x1  }
0xb4: {  	[sflag:s29] =	ssyncadd.s32 $0xFFFFFFFF  }
0xb5: {  	_ =	strace $0x90000048  }
0xb6: {  	_ =	sfence  }
0xb7: {  	s30 =	sld [smem:$0x0];
	_ =	sdelay $0x2  }
0xb8: {  	s31 =	sshll.u32 s1, $0xD;
	s1 =	sshrl.u32 s1, $0x2  }
0xb9: {  	s3 =	sand.u32 $0x4000, s31;
	s1 =	sadd.s32 s1, s30  }
0xba: {  	s0 =	sor.u32 s3, s0;
	s1 =	sshll.u32 s1, $0x11  }
0xbb: {  	s0 =	sor.u32 s1, s0  }
0xbc: {  	s0 =	sadd.s32 $0x8F2B, s0  }
0xbd: {  	[sflag:s0] =	ssyncadd.remote.s32 $0x1  }
0xbe: {  	_ =	sfence.sel $0xFFFF  }
0xbf: {  	[dreg:$0x0] =	wrdreg $0xFFFFFFFF;
	(pc) =	sbr.abs _section_cstart, $3  }
0xc0: {  	[dreg:$0x1] =	wrdreg $0xFFFFFFFF  }
0xc1: {  	_ =	task.clear_ibuf [dreg:s7], $0x2FFFF;
	_ =	strace $0x9FFFFFFF  }
0xc2: {  	(tm) =	ssettm $0x7FFFFFFF  }
0xc3: {  	_ =	shalt  }
tec
execute0_lowered:
.L_overlay_start_1:
0x0: {  	(tag) =	ssettag $0x1  }
0x1: {  	s0 =	srdreg.scid;
	s2 =	rddreg [dreg:$0x0]  }
0x2: {  	s10 =	stileid.u32;
	s3 =	rddreg [dreg:$0x1];
	s4 =	simm.s32 $0x0  }
0x3: {  	s14 =	simm.s32 $0xE;
	s12 =	simm.s32 $0xD8E0;
	s18 =	simm.s32 $0x1  }
0x4: {  	s19 =	simm.s32 $0x20;
	s11 =	simm.s32 $0x2;
	s29 =	simm.s32 $0x4  }
0x5: {  	s31 =	simm.s32 $0x5;
	s16 =	simm.s32 $0x9;
	s0 =	sand.u32 $0x1, s0  }
0x6: {  	s1 =	sshll.u32 s10, $0x1;
	[smem:$0x7FF] =	sst s4;
	s13 =	sadd.s32 $0x200, s2  }
0x7: {  	s5 =	sadd.s32 $0xDA00, s2;
	s6 =	sadd.s32 $0x1DA00, s2;
	s21 =	smul.u32 $0x1870, s10  }
0x8: {  	s1 =	sor.u32 s0, s1;
	s8 =	ssub.s32 $0x2, s0;
	s0 =	smul.u32 $0xC38, s0  }
0x9: {  	s10 =	simm.s32 $0xC8E0;
	s1 =	smul.u32 $0xC38, s1;
	s9 =	sshrl.u32 s8, $0x1  }
0xa: {  	_ =	strace $0x80000047;
	s8 =	ssub.s32 s8, s9;
	s0 =	sadd.s32 s0, s21  }
0xb: {  	s21 =	simm.s32 $0x80;
	s1 =	smin.u32 s1, $0x17A68;
	s0 =	smin.u32 s0, $0x17A68  }
0xc: {  	s30 =	smax.u32 s8, $0x1;
	s20 =	sshrl.u32 s1, $0x3;
	s0 =	sshll.u32 s0, $0x4  }
0xd: {  	[dreg:$0xb] =	wrdreg s30;
	s7 =	sadd.s32 s20, s2;
	s0 =	sadd.s32 s0, s3  }
0xe: {  	s9 =	simm.s32 $0xB8E0;
	s22 =	sadd.s32 $0xA800, s7;
	[dreg:$0xc] =	wrdreg s0  }
0xf: {  	s8 =	simm.s32 $0x1B0E0;
	s23 =	sadd.s32 $0x7600, s7;
	[dreg:$0x3] =	wrdreg s22  }
0x10: {  	s1 =	sshll.u32 s1, $0x4;
	s24 =	sadd.s32 $0x4400, s7;
	[dreg:$0x4] =	wrdreg s23  }
0x11: {  	s1 =	sadd.s32 s3, s1;
	s7 =	sadd.s32 $0x1200, s7;
	[dreg:$0x5] =	wrdreg s24  }
0x12: {  	s3 =	simm.s32 $0x0;
	s25 =	sadd.s32 $0xC000, s1;
	[dreg:$0x6] =	wrdreg s7  }
.Ltmp0:
0x13: {  	s26 =	sadd.s32 $0xC002, s1;
	[dreg:$0x7] =	wrdreg s25;
	(pc) =	sbr.rel .LBB2_1-.Ltmp0, $4  }
0x14: {  	s20 =	simm.s32 $0x10;
	s28 =	sadd.s32 $0xC006, s1;
	[dreg:$0x8] =	wrdreg s26  }
0x15: {  	s1 =	sadd.s32 $0xC00A, s1;
	s0 =	simm.s32 $0x6;
	[dreg:$0x9] =	wrdreg s28  }
0x16: {  	[dreg:$0xa] =	wrdreg s1;
	s22 =	simm.s32 $0x3;
	s23 =	simm.s32 $0x118E0  }
0x17: {  	s24 =	simm.s32 $0x130E0;
	s25 =	simm.s32 $0x138E0;
	s26 =	simm.s32 $0x148E0  }
.LBB2_4:
0x18: {  	s1 =	simm.s32 $0x7  }
0x19: {  	_ =	swait.ge [sflag:s1], $0x800  }
0x1a: {  	[sflag:s1] =	ssyncset.done $0x0  }
0x1b: {  	[sflag:s1] =	ssyncadd.s32 $0xFFFFF800  }
0x1c: {  	_ =	swait.ge [sflag:s1], $0x1000  }
0x1d: {  	[sflag:s1] =	ssyncset.done $0x0  }
0x1e: {  	[sflag:s1] =	ssyncadd.s32 $0xFFFFF000  }
0x1f: {  	_ =	swait.ge [sflag:s1], $0x1000  }
0x20: {  	[sflag:s1] =	ssyncset.done $0x0  }
0x21: {  	[sflag:s1] =	ssyncadd.s32 $0xFFFFF000  }
0x22: {  	_ =	swait.ge [sflag:s1], $0x1800  }
0x23: {  	[sflag:s1] =	ssyncset.done $0x0  }
0x24: {  	s10 =	simm.s32 $0x8;
	[sflag:s1] =	ssyncadd.s32 $0xFFFFE800  }
0x25: {  	_ =	swait.ge [sflag:s10], $0x800  }
0x26: {  	[sflag:s10] =	ssyncset.done $0x0  }
0x27: {  	[sflag:s10] =	ssyncadd.s32 $0xFFFFF800  }
0x28: {  	_ =	swait.ge [sflag:s10], $0x1000  }
0x29: {  	[sflag:s10] =	ssyncset.done $0x0  }
0x2a: {  	[sflag:s10] =	ssyncadd.s32 $0xFFFFF000  }
0x2b: {  	_ =	swait.ge [sflag:s10], $0x1000  }
0x2c: {  	[sflag:s10] =	ssyncset.done $0x0  }
0x2d: {  	[sflag:s10] =	ssyncadd.s32 $0xFFFFF000  }
0x2e: {  	_ =	swait.ge [sflag:s10], $0x1800  }
0x2f: {  	[sflag:s10] =	ssyncset.done $0x0  }
0x30: {  	[sflag:s10] =	ssyncadd.s32 $0xFFFFE800  }
0x31: {  	_ =	swait.ge [sflag:s16], $0x800  }
0x32: {  	[sflag:s16] =	ssyncset.done $0x0  }
0x33: {  	[sflag:s16] =	ssyncadd.s32 $0xFFFFF800  }
0x34: {  	_ =	swait.ge [sflag:s16], $0x1000  }
0x35: {  	[sflag:s16] =	ssyncset.done $0x0  }
0x36: {  	[sflag:s16] =	ssyncadd.s32 $0xFFFFF000  }
0x37: {  	_ =	swait.ge [sflag:s16], $0x1000  }
0x38: {  	[sflag:s16] =	ssyncset.done $0x0  }
0x39: {  	[sflag:s16] =	ssyncadd.s32 $0xFFFFF000  }
0x3a: {  	_ =	swait.ge [sflag:s16], $0x1800  }
0x3b: {  	[sflag:s16] =	ssyncset.done $0x0  }
0x3c: {  	s12 =	simm.s32 $0xA;
	[sflag:s16] =	ssyncadd.s32 $0xFFFFE800  }
0x3d: {  	_ =	swait.ge [sflag:s12], $0x800  }
0x3e: {  	[sflag:s12] =	ssyncset.done $0x0  }
0x3f: {  	[sflag:s12] =	ssyncadd.s32 $0xFFFFF800  }
0x40: {  	_ =	swait.ge [sflag:s12], $0x1000  }
0x41: {  	[sflag:s12] =	ssyncset.done $0x0  }
0x42: {  	[sflag:s12] =	ssyncadd.s32 $0xFFFFF000  }
0x43: {  	_ =	swait.ge [sflag:s12], $0x1000  }
0x44: {  	[sflag:s12] =	ssyncset.done $0x0  }
0x45: {  	[sflag:s12] =	ssyncadd.s32 $0xFFFFF000  }
0x46: {  	_ =	swait.ge [sflag:s12], $0x1800  }
0x47: {  	[sflag:s12] =	ssyncset.done $0x0  }
0x48: {  	s14 =	simm.s32 $0xB;
	[sflag:s12] =	ssyncadd.s32 $0xFFFFE800  }
0x49: {  	_ =	swait.ge [sflag:s14], $0x800  }
0x4a: {  	[sflag:s14] =	ssyncset.done $0x0  }
0x4b: {  	[sflag:s14] =	ssyncadd.s32 $0xFFFFF800  }
0x4c: {  	_ =	swait.ge [sflag:s14], $0x1000  }
0x4d: {  	[sflag:s14] =	ssyncset.done $0x0  }
0x4e: {  	[sflag:s14] =	ssyncadd.s32 $0xFFFFF000  }
0x4f: {  	_ =	swait.ge [sflag:s14], $0x1000  }
0x50: {  	[sflag:s14] =	ssyncset.done $0x0  }
0x51: {  	[sflag:s14] =	ssyncadd.s32 $0xFFFFF000  }
0x52: {  	_ =	swait.ge [sflag:s14], $0x1800  }
0x53: {  	[sflag:s14] =	ssyncset.done $0x0  }
0x54: {  	s17 =	simm.s32 $0xC;
	[sflag:s14] =	ssyncadd.s32 $0xFFFFE800  }
0x55: {  	_ =	swait.ge [sflag:s17], $0x800  }
0x56: {  	[sflag:s17] =	ssyncset.done $0x0  }
0x57: {  	[sflag:s17] =	ssyncadd.s32 $0xFFFFF800  }
0x58: {  	_ =	swait.ge [sflag:s17], $0x1000  }
0x59: {  	[sflag:s17] =	ssyncset.done $0x0  }
0x5a: {  	[sflag:s17] =	ssyncadd.s32 $0xFFFFF000  }
0x5b: {  	_ =	swait.ge [sflag:s17], $0x1000  }
0x5c: {  	[sflag:s17] =	ssyncset.done $0x0  }
0x5d: {  	[sflag:s17] =	ssyncadd.s32 $0xFFFFF000  }
0x5e: {  	_ =	swait.ge [sflag:s17], $0x1800  }
0x5f: {  	[sflag:s17] =	ssyncset.done $0x0  }
0x60: {  	s28 =	simm.s32 $0xD;
	[sflag:s17] =	ssyncadd.s32 $0xFFFFE800  }
0x61: {  	_ =	swait.ge [sflag:s28], $0x380  }
0x62: {  	[sflag:s28] =	ssyncset.done $0x0  }
0x63: {  	[sflag:s28] =	ssyncadd.s32 $0xFFFFFC80  }
0x64: {  	_ =	swait.ge [sflag:s28], $0x700  }
0x65: {  	[sflag:s28] =	ssyncset.done $0x0  }
0x66: {  	[sflag:s28] =	ssyncadd.s32 $0xFFFFF900  }
0x67: {  	_ =	swait.ge [sflag:s28], $0x700  }
0x68: {  	[sflag:s28] =	ssyncset.done $0x0  }
0x69: {  	[sflag:s28] =	ssyncadd.s32 $0xFFFFF900  }
0x6a: {  	_ =	swait.ge [sflag:s28], $0xA80  }
0x6b: {  	s8 =	simm.s32 $0x1B0E0;
	[sflag:s28] =	ssyncset.done $0x0  }
0x6c: {  	s14 =	simm.s32 $0xE;
	s30 =	rddreg [dreg:$0x7];
	[sflag:s28] =	ssyncadd.s32 $0xFFFFF580  }
0x6d: {  	[hbm4b:s30+s3] =	stream.strided.scatter [tilespmem:s8], [sflag:$0xE], $0x380, s21, s3, $0x38;
	[tilespmem:$0x1CCE0] =	vst v63  }
0x6e: {  	_ =	swait.ge [sflag:s14], $0x380  }
0x6f: {  	[sflag:s14] =	ssyncset.done $0x0  }
0x70: {  	s7 =	simm.s32 $0x1B460;
	s4 =	rddreg [dreg:$0x8];
	[sflag:s14] =	ssyncadd.s32 $0xFFFFFC80  }
0x71: {  	[hbm4b:s4+s19] =	stream.strided.scatter [tilespmem:s7], [sflag:$0xE], $0x700, s21, s19, $0x38;
	[tilespmem:$0x1CCE0] =	vst v63  }
0x72: {  	_ =	swait.ge [sflag:s14], $0x700  }
0x73: {  	[sflag:s14] =	ssyncset.done $0x0  }
0x74: {  	s10 =	simm.s32 $0x1BB60;
	s9 =	rddreg [dreg:$0x9];
	[sflag:s14] =	ssyncadd.s32 $0xFFFFF900  }
0x75: {  	[hbm4b:s9+s19] =	stream.strided.scatter [tilespmem:s10], [sflag:$0xE], $0x700, s21, s19, $0x38;
	[tilespmem:$0x1CCE0] =	vst v63  }
0x76: {  	_ =	swait.ge [sflag:s14], $0x700  }
0x77: {  	[sflag:s14] =	ssyncset.done $0x0  }
0x78: {  	s17 =	simm.s32 $0x1C260;
	s12 =	rddreg [dreg:$0xa];
	[sflag:s14] =	ssyncadd.s32 $0xFFFFF900  }
0x79: {  	[hbm4b:s12+s15] =	stream.strided.scatter [tilespmem:s17], [sflag:$0xE], $0xA80, s21, s15, $0x38;
	[tilespmem:$0x1CCE0] =	vst v63  }
0x7a: {  	_ =	swait.ge [sflag:s14], $0xA80  }
0x7b: {  	s28 =	rddreg [dreg:$0xd]  }
0x7c: {  	s30 =	rddreg [dreg:$0xb];
	s3 =	sadd.s32 $0x1, s28  }
0x7d: {  	p0 =	sne.s32 s3, s30  }
.Ltmp1:
0x7e: {  	_ = 	snop;
	(pc) =	sbr.rel @!p0 .LBB2_5-.Ltmp1, $3  }
0x7f: {  	_ =	sdelay $0x1  }
0x80: {  	s9 =	simm.s32 $0xB8E0;
	[sflag:s14] =	ssyncset.done $0x0  }
0x81: {  	s10 =	simm.s32 $0xC8E0;
	s12 =	simm.s32 $0xD8E0;
	[sflag:s14] =	ssyncadd.s32 $0xFFFFF580  }
.LBB2_1:
0x82: {  	[dreg:$0xd] =	wrdreg s3  }
0x83: {  	s1 =	simm.s32 $0x0;
	s7 =	rddreg [dreg:$0x3]  }
0x84: {  	[tilespmem:s1], [sflag:$0xE] =	stream.linear.gather [hbm4b:s7+s1], $0xC38, $0x38;
	[tilespmem:$0x1CCE0] =	vst v63  }
0x85: {  	_ =	swait.ge [sflag:s14], $0xC38  }
0x86: {  	[sflag:s14] =	ssyncset.done $0x0  }
0x87: {  	s15 =	simm.s32 $0xC38;
	s7 =	rddreg [dreg:$0x4];
	[sflag:s14] =	ssyncadd.s32 $0xFFFFF3C8  }
0x88: {  	[tilespmem:s15], [sflag:$0xE] =	stream.linear.gather [hbm4b:s7+s1], $0xC38, $0x38;
	[tilespmem:$0x1CCE0] =	vst v63  }
0x89: {  	_ =	swait.ge [sflag:s14], $0xC38  }
0x8a: {  	[sflag:s14] =	ssyncset.done $0x0  }
0x8b: {  	s28 =	simm.s32 $0x1870;
	s7 =	rddreg [dreg:$0x5];
	[sflag:s14] =	ssyncadd.s32 $0xFFFFF3C8  }
0x8c: {  	[tilespmem:s28], [sflag:$0xE] =	stream.linear.gather [hbm4b:s7+s1], $0xC38, $0x38;
	[tilespmem:$0x1CCE0] =	vst v63  }
0x8d: {  	_ =	swait.ge [sflag:s14], $0xC38  }
0x8e: {  	[sflag:s14] =	ssyncset.done $0x0  }
0x8f: {  	s30 =	simm.s32 $0x24A8;
	s7 =	rddreg [dreg:$0x6];
	[sflag:s14] =	ssyncadd.s32 $0xFFFFF3C8  }
0x90: {  	[tilespmem:s30], [sflag:$0xE] =	stream.linear.gather [hbm4b:s7+s1], $0xC38, $0x38;
	[tilespmem:$0x1CCE0] =	vst v63  }
0x91: {  	_ =	swait.ge [sflag:s14], $0xC38  }
0x92: {  	[sflag:s14] =	ssyncset.done $0x0  }
0x93: {  	[sflag:s14] =	ssyncadd.s32 $0xFFFFF3C8;
	s14 =	simm.s32 $0x30E0  }
0x94: {  	[tilespmem:s14], [sflag:$0x1] =	stream.indirect.gather [hbm4b:s2+s21], $0x10, s1, s21, $0xb8;
	[tilespmem:$0x1CCE0] =	vst v63  }
0x95: {  	s7 =	simm.s32 $0x38E0  }
0x96: {  	[tilespmem:s7], [sflag:$0x1] =	stream.indirect.gather [hbm4b:s13+s21], $0x20, s15, s21, $0xb8;
	[tilespmem:$0x1CCE0] =	vst v63  }
0x97: {  	s14 =	simm.s32 $0x48E0  }
0x98: {  	[tilespmem:s14], [sflag:$0x1] =	stream.indirect.gather [hbm4b:s5+s21], $0x20, s28, s21, $0xb8;
	[tilespmem:$0x1CCE0] =	vst v63  }
0x99: {  	s15 =	simm.s32 $0x58E0  }
0x9a: {  	[tilespmem:s15], [sflag:$0x1] =	stream.indirect.gather [hbm4b:s6+s21], $0x30, s30, s21, $0xb8;
	[tilespmem:$0x1CCE0] =	vst v63  }
0x9b: {  	s7 =	simm.s32 $0x70E0  }
0x9c: {  	[tilespmem:s7], [sflag:$0x2] =	stream.indirect.gather [hbm4b:s2+s21], $0x10, s21, s21, $0xb8;
	[tilespmem:$0x1CCE0] =	vst v63  }
0x9d: {  	s14 =	simm.s32 $0xCB8;
	s15 =	simm.s32 $0x78E0  }
0x9e: {  	[tilespmem:s15], [sflag:$0x2] =	stream.indirect.gather [hbm4b:s13+s21], $0x20, s14, s21, $0xb8;
	[tilespmem:$0x1CCE0] =	vst v63  }
0x9f: {  	s14 =	simm.s32 $0x18F0;
	s15 =	simm.s32 $0x88E0  }
0xa0: {  	[tilespmem:s15], [sflag:$0x2] =	stream.indirect.gather [hbm4b:s5+s21], $0x20, s14, s21, $0xb8;
	[tilespmem:$0x1CCE0] =	vst v63  }
0xa1: {  	s14 =	simm.s32 $0x2528;
	s15 =	simm.s32 $0x98E0  }
0xa2: {  	[tilespmem:s15], [sflag:$0x2] =	stream.indirect.gather [hbm4b:s6+s21], $0x30, s14, s21, $0xb8;
	[tilespmem:$0x1CCE0] =	vst v63  }
0xa3: {  	s14 =	simm.s32 $0x100;
	s15 =	simm.s32 $0xB0E0  }
0xa4: {  	[tilespmem:s15], [sflag:$0x3] =	stream.indirect.gather [hbm4b:s2+s21], $0x10, s14, s21, $0xb8;
	[tilespmem:$0x1CCE0] =	vst v63  }
0xa5: {  	s7 =	simm.s32 $0xD38  }
0xa6: {  	[tilespmem:s9], [sflag:$0x3] =	stream.indirect.gather [hbm4b:s13+s21], $0x20, s7, s21, $0xb8;
	[tilespmem:$0x1CCE0] =	vst v63  }
0xa7: {  	s14 =	simm.s32 $0x1970  }
0xa8: {  	[tilespmem:s10], [sflag:$0x3] =	stream.indirect.gather [hbm4b:s5+s21], $0x20, s14, s21, $0xb8;
	[tilespmem:$0x1CCE0] =	vst v63  }
0xa9: {  	s7 =	simm.s32 $0x25A8  }
0xaa: {  	[tilespmem:s12], [sflag:$0x3] =	stream.indirect.gather [hbm4b:s6+s21], $0x30, s7, s21, $0xb8;
	[tilespmem:$0x1CCE0] =	vst v63  }
0xab: {  	s1 =	simm.s32 $0x38;
	s14 =	simm.s32 $0xC00  }
0xac: {  	[tilespmem:s8], [sflag:$0xD] =	stream.indirect.gather [hbm4b:s2+s1], $0x10, s14, s1, $0xb8;
	[tilespmem:$0x1CCE0] =	vst v63  }
0xad: {  	s17 =	simm.s32 $0x1B460;
	s8 =	simm.s32 $0x1838  }
0xae: {  	[tilespmem:s17], [sflag:$0xD] =	stream.indirect.gather [hbm4b:s13+s1], $0x20, s8, s1, $0xb8;
	[tilespmem:$0x1CCE0] =	vst v63  }
0xaf: {  	s4 =	simm.s32 $0x1BB60;
	s3 =	simm.s32 $0x1C260;
	s14 =	simm.s32 $0x2470  }
0xb0: {  	[tilespmem:s4], [sflag:$0xD] =	stream.indirect.gather [hbm4b:s5+s1], $0x20, s14, s1, $0xb8;
	[tilespmem:$0x1CCE0] =	vst v63  }
0xb1: {  	s28 =	simm.s32 $0x0;
	s30 =	simm.s32 $0x28A8;
	s17 =	simm.s32 $0x30A8  }
0xb2: {  	[tilespmem:s3], [sflag:$0xD] =	stream.indirect.gather [hbm4b:s6+s1], $0x30, s17, s1, $0xb8;
	[tilespmem:$0x1CCE0] =	vst v63  }
.LBB2_2:
0xb3: {  	_ =	swait.ge [sflag:s18], $0x800  }
0xb4: {  	[sflag:s18] =	ssyncset.done $0x0  }
0xb5: {  	[sflag:s18] =	ssyncadd.s32 $0xFFFFF800  }
0xb6: {  	_ =	swait.ge [sflag:s18], $0x1000  }
0xb7: {  	[sflag:s18] =	ssyncset.done $0x0  }
0xb8: {  	[sflag:s18] =	ssyncadd.s32 $0xFFFFF000  }
0xb9: {  	_ =	swait.ge [sflag:s18], $0x1000  }
0xba: {  	[sflag:s18] =	ssyncset.done $0x0  }
0xbb: {  	[sflag:s18] =	ssyncadd.s32 $0xFFFFF000  }
0xbc: {  	_ =	swait.ge [sflag:s18], $0x1800  }
0xbd: {  	[sflag:s18] =	ssyncset.done $0x0;
	s1 =	rddreg [dreg:$0xc]  }
0xbe: {  	s7 =	simm.s32 $0x30E0;
	[sflag:s18] =	ssyncadd.s32 $0xFFFFE800;
	s1 =	sadd.s32 s28, s1  }
0xbf: {  	[hbm4b:s1+s20] =	stream.strided.scatter [tilespmem:s7], [sflag:$0x7], $0x800, s21, s20, $0x38;
	[tilespmem:$0x1CCE0] =	vst v63  }
0xc0: {  	s14 =	simm.s32 $0x38E0;
	s17 =	simm.s32 $0x48E0;
	s8 =	sadd.s32 $0x2, s1  }
0xc1: {  	[hbm4b:s8+s19] =	stream.strided.scatter [tilespmem:s14], [sflag:$0x7], $0x1000, s21, s19, $0x38;
	[tilespmem:$0x1CCE0] =	vst v63  }
0xc2: {  	s4 =	simm.s32 $0x30;
	p0 =	seq.s32 s28, $0x0;
	s14 =	sadd.s32 $0x6, s1  }
0xc3: {  	[hbm4b:s14+s19] =	stream.strided.scatter [tilespmem:s17], [sflag:$0x7], $0x1000, s21, s19, $0x38;
	[tilespmem:$0x1CCE0] =	vst v63  }
0xc4: {  	s3 =	sadd.s32 $0xA, s1;
	s7 =	simm.s32 @!p0 $0xA;
	s8 =	simm.s32 $0x58E0  }
0xc5: {  	[hbm4b:s3+s4] =	stream.strided.scatter [tilespmem:s8], [sflag:$0x7], $0x1800, s21, s4, $0x38;
	[tilespmem:$0x1CCE0] =	vst v63  }
0xc6: {  	_ =	swait.ge @!p0 [sflag:s7], $0x800  }
0xc7: {  	[sflag:s7] =	ssyncset.done @!p0 $0x0  }
0xc8: {  	[sflag:s7] =	ssyncadd.s32 @!p0 $0xFFFFF800  }
0xc9: {  	_ =	swait.ge @!p0 [sflag:s7], $0x1000  }
0xca: {  	[sflag:s7] =	ssyncset.done @!p0 $0x0  }
0xcb: {  	[sflag:s7] =	ssyncadd.s32 @!p0 $0xFFFFF000  }
0xcc: {  	_ =	swait.ge @!p0 [sflag:s7], $0x1000  }
0xcd: {  	[sflag:s7] =	ssyncset.done @!p0 $0x0  }
0xce: {  	[sflag:s7] =	ssyncadd.s32 @!p0 $0xFFFFF000  }
0xcf: {  	_ =	swait.ge @!p0 [sflag:s7], $0x1800  }
0xd0: {  	[sflag:s7] =	ssyncset.done @!p0 $0x0  }
0xd1: {  	s14 =	sadd.s32 $0xFFFFD8D8, s30;
	s8 =	simm.s32 $0xF0E0;
	[sflag:s7] =	ssyncadd.s32 @!p0 $0xFFFFE800  }
0xd2: {  	[tilespmem:s8], [sflag:$0x4] =	stream.indirect.gather [hbm4b:s2+s21], $0x10, s14, s21, $0xb8;
	[tilespmem:$0x1CCE0] =	vst v63  }
0xd3: {  	s17 =	sadd.s32 $0xFFFFE510, s30;
	s3 =	simm.s32 $0xF8E0  }
0xd4: {  	[tilespmem:s3], [sflag:$0x4] =	stream.indirect.gather [hbm4b:s13+s21], $0x20, s17, s21, $0xb8;
	[tilespmem:$0x1CCE0] =	vst v63  }
0xd5: {  	s14 =	sadd.s32 $0xFFFFF148, s30;
	s17 =	simm.s32 $0x108E0  }
0xd6: {  	[tilespmem:s17], [sflag:$0x4] =	stream.indirect.gather [hbm4b:s5+s21], $0x20, s14, s21, $0xb8;
	[tilespmem:$0x1CCE0] =	vst v63  }
0xd7: {  	s14 =	sadd.s32 $0xFFFFFD80, s30  }
0xd8: {  	[tilespmem:s23], [sflag:$0x4] =	stream.indirect.gather [hbm4b:s6+s21], $0x30, s14, s21, $0xb8;
	[tilespmem:$0x1CCE0] =	vst v63  }
0xd9: {  	_ =	swait.ge [sflag:s11], $0x800  }
0xda: {  	[sflag:s11] =	ssyncset.done $0x0  }
0xdb: {  	[sflag:s11] =	ssyncadd.s32 $0xFFFFF800  }
0xdc: {  	_ =	swait.ge [sflag:s11], $0x1000  }
0xdd: {  	[sflag:s11] =	ssyncset.done $0x0  }
0xde: {  	[sflag:s11] =	ssyncadd.s32 $0xFFFFF000  }
0xdf: {  	_ =	swait.ge [sflag:s11], $0x1000  }
0xe0: {  	[sflag:s11] =	ssyncset.done $0x0  }
0xe1: {  	[sflag:s11] =	ssyncadd.s32 $0xFFFFF000  }
0xe2: {  	_ =	swait.ge [sflag:s11], $0x1800  }
0xe3: {  	[sflag:s11] =	ssyncset.done $0x0  }
0xe4: {  	s7 =	sadd.s32 $0x800, s1;
	s14 =	simm.s32 $0x70E0;
	[sflag:s11] =	ssyncadd.s32 $0xFFFFE800  }
0xe5: {  	[hbm4b:s7+s20] =	stream.strided.scatter [tilespmem:s14], [sflag:$0x8], $0x800, s21, s20, $0x38;
	[tilespmem:$0x1CCE0] =	vst v63  }
0xe6: {  	s7 =	sadd.s32 $0x802, s1;
	s14 =	simm.s32 $0x78E0  }
0xe7: {  	[hbm4b:s7+s19] =	stream.strided.scatter [tilespmem:s14], [sflag:$0x8], $0x1000, s21, s19, $0x38;
	[tilespmem:$0x1CCE0] =	vst v63  }
0xe8: {  	s7 =	sadd.s32 $0x806, s1;
	s14 =	simm.s32 $0x88E0  }
0xe9: {  	[hbm4b:s7+s19] =	stream.strided.scatter [tilespmem:s14], [sflag:$0x8], $0x1000, s21, s19, $0x38;
	[tilespmem:$0x1CCE0] =	vst v63  }
0xea: {  	s7 =	sadd.s32 $0x80A, s1;
	s14 =	simm.s32 $0x98E0  }
0xeb: {  	[hbm4b:s7+s4] =	stream.strided.scatter [tilespmem:s14], [sflag:$0x8], $0x1800, s21, s4, $0x38;
	[tilespmem:$0x1CCE0] =	vst v63  }
0xec: {  	s7 =	simm.s32 @!p0 $0xB  }
0xed: {  	_ =	swait.ge @!p0 [sflag:s7], $0x800  }
0xee: {  	[sflag:s7] =	ssyncset.done @!p0 $0x0  }
0xef: {  	[sflag:s7] =	ssyncadd.s32 @!p0 $0xFFFFF800  }
0xf0: {  	_ =	swait.ge @!p0 [sflag:s7], $0x1000  }
0xf1: {  	[sflag:s7] =	ssyncset.done @!p0 $0x0  }
0xf2: {  	[sflag:s7] =	ssyncadd.s32 @!p0 $0xFFFFF000  }
0xf3: {  	_ =	swait.ge @!p0 [sflag:s7], $0x1000  }
0xf4: {  	[sflag:s7] =	ssyncset.done @!p0 $0x0  }
0xf5: {  	[sflag:s7] =	ssyncadd.s32 @!p0 $0xFFFFF000  }
0xf6: {  	_ =	swait.ge @!p0 [sflag:s7], $0x1800  }
0xf7: {  	[sflag:s7] =	ssyncset.done @!p0 $0x0  }
0xf8: {  	s14 =	sadd.s32 $0xFFFFD958, s30;
	[sflag:s7] =	ssyncadd.s32 @!p0 $0xFFFFE800  }
0xf9: {  	[tilespmem:s24], [sflag:$0x5] =	stream.indirect.gather [hbm4b:s2+s21], $0x10, s14, s21, $0xb8;
	[tilespmem:$0x1CCE0] =	vst v63  }
0xfa: {  	s14 =	sadd.s32 $0xFFFFE590, s30  }
0xfb: {  	[tilespmem:s25], [sflag:$0x5] =	stream.indirect.gather [hbm4b:s13+s21], $0x20, s14, s21, $0xb8;
	[tilespmem:$0x1CCE0] =	vst v63  }
0xfc: {  	s14 =	sadd.s32 $0xFFFFF1C8, s30  }
0xfd: {  	[tilespmem:s26], [sflag:$0x5] =	stream.indirect.gather [hbm4b:s5+s21], $0x20, s14, s21, $0xb8;
	[tilespmem:$0x1CCE0] =	vst v63  }
0xfe: {  	s7 =	sadd.s32 $0xFFFFFE00, s30;
	s14 =	simm.s32 $0x158E0  }
0xff: {  	[tilespmem:s14], [sflag:$0x5] =	stream.indirect.gather [hbm4b:s6+s21], $0x30, s7, s21, $0xb8;
	[tilespmem:$0x1CCE0] =	vst v63  }
0x100: {  	_ =	swait.ge [sflag:s22], $0x800  }
0x101: {  	[sflag:s22] =	ssyncset.done $0x0  }
0x102: {  	[sflag:s22] =	ssyncadd.s32 $0xFFFFF800  }
0x103: {  	_ =	swait.ge [sflag:s22], $0x1000  }
0x104: {  	[sflag:s22] =	ssyncset.done $0x0  }
0x105: {  	[sflag:s22] =	ssyncadd.s32 $0xFFFFF000  }
0x106: {  	_ =	swait.ge [sflag:s22], $0x1000  }
0x107: {  	[sflag:s22] =	ssyncset.done $0x0  }
0x108: {  	[sflag:s22] =	ssyncadd.s32 $0xFFFFF000  }
0x109: {  	_ =	swait.ge [sflag:s22], $0x1800  }
0x10a: {  	[sflag:s22] =	ssyncset.done $0x0  }
0x10b: {  	s14 =	sadd.s32 $0x1000, s1;
	[sflag:s22] =	ssyncadd.s32 $0xFFFFE800  }
0x10c: {  	[hbm4b:s14+s20] =	stream.strided.scatter [tilespmem:s15], [sflag:$0x9], $0x800, s21, s20, $0x38;
	[tilespmem:$0x1CCE0] =	vst v63  }
0x10d: {  	s14 =	sadd.s32 $0x1002, s1  }
0x10e: {  	[hbm4b:s14+s19] =	stream.strided.scatter [tilespmem:s9], [sflag:$0x9], $0x1000, s21, s19, $0x38;
	[tilespmem:$0x1CCE0] =	vst v63  }
0x10f: {  	s15 =	sadd.s32 $0x1006, s1  }
0x110: {  	[hbm4b:s15+s19] =	stream.strided.scatter [tilespmem:s10], [sflag:$0x9], $0x1000, s21, s19, $0x38;
	[tilespmem:$0x1CCE0] =	vst v63  }
0x111: {  	s7 =	simm.s32 @!p0 $0xC;
	s9 =	sadd.s32 $0x100A, s1  }
0x112: {  	[hbm4b:s9+s4] =	stream.strided.scatter [tilespmem:s12], [sflag:$0x9], $0x1800, s21, s4, $0x38;
	[tilespmem:$0x1CCE0] =	vst v63  }
0x113: {  	_ =	swait.ge @!p0 [sflag:s7], $0x800  }
0x114: {  	[sflag:s7] =	ssyncset.done @!p0 $0x0  }
0x115: {  	[sflag:s7] =	ssyncadd.s32 @!p0 $0xFFFFF800  }
0x116: {  	_ =	swait.ge @!p0 [sflag:s7], $0x1000  }
0x117: {  	[sflag:s7] =	ssyncset.done @!p0 $0x0  }
0x118: {  	[sflag:s7] =	ssyncadd.s32 @!p0 $0xFFFFF000  }
0x119: {  	_ =	swait.ge @!p0 [sflag:s7], $0x1000  }
0x11a: {  	[sflag:s7] =	ssyncset.done @!p0 $0x0  }
0x11b: {  	[sflag:s7] =	ssyncadd.s32 @!p0 $0xFFFFF000  }
0x11c: {  	_ =	swait.ge @!p0 [sflag:s7], $0x1800  }
0x11d: {  	[sflag:s7] =	ssyncset.done @!p0 $0x0  }
0x11e: {  	s10 =	sadd.s32 $0xFFFFD9D8, s30;
	s12 =	simm.s32 $0x170E0;
	[sflag:s7] =	ssyncadd.s32 @!p0 $0xFFFFE800  }
0x11f: {  	[tilespmem:s12], [sflag:$0x6] =	stream.indirect.gather [hbm4b:s2+s21], $0x10, s10, s21, $0xb8;
	[tilespmem:$0x1CCE0] =	vst v63  }
0x120: {  	s14 =	sadd.s32 $0xFFFFE610, s30;
	s15 =	simm.s32 $0x178E0  }
0x121: {  	[tilespmem:s15], [sflag:$0x6] =	stream.indirect.gather [hbm4b:s13+s21], $0x20, s14, s21, $0xb8;
	[tilespmem:$0x1CCE0] =	vst v63  }
0x122: {  	s10 =	sadd.s32 $0xFFFFF248, s30;
	s12 =	simm.s32 $0x188E0  }
0x123: {  	[tilespmem:s12], [sflag:$0x6] =	stream.indirect.gather [hbm4b:s5+s21], $0x20, s10, s21, $0xb8;
	[tilespmem:$0x1CCE0] =	vst v63  }
0x124: {  	s14 =	sadd.s32 $0xFFFFFE80, s30;
	s15 =	simm.s32 $0x198E0  }
0x125: {  	[tilespmem:s15], [sflag:$0x6] =	stream.indirect.gather [hbm4b:s6+s21], $0x30, s14, s21, $0xb8;
	[tilespmem:$0x1CCE0] =	vst v63  }
0x126: {  	_ =	swait.ge [sflag:s29], $0x800  }
0x127: {  	[sflag:s29] =	ssyncset.done $0x0  }
0x128: {  	[sflag:s29] =	ssyncadd.s32 $0xFFFFF800  }
0x129: {  	_ =	swait.ge [sflag:s29], $0x1000  }
0x12a: {  	[sflag:s29] =	ssyncset.done $0x0  }
0x12b: {  	[sflag:s29] =	ssyncadd.s32 $0xFFFFF000  }
0x12c: {  	_ =	swait.ge [sflag:s29], $0x1000  }
0x12d: {  	[sflag:s29] =	ssyncset.done $0x0  }
0x12e: {  	[sflag:s29] =	ssyncadd.s32 $0xFFFFF000  }
0x12f: {  	_ =	swait.ge [sflag:s29], $0x1800  }
0x130: {  	[sflag:s29] =	ssyncset.done $0x0  }
0x131: {  	s9 =	sadd.s32 $0x1800, s1;
	[sflag:s29] =	ssyncadd.s32 $0xFFFFE800  }
0x132: {  	[hbm4b:s9+s20] =	stream.strided.scatter [tilespmem:s8], [sflag:$0xA], $0x800, s21, s20, $0x38;
	[tilespmem:$0x1CCE0] =	vst v63  }
0x133: {  	s10 =	sadd.s32 $0x1802, s1  }
0x134: {  	[hbm4b:s10+s19] =	stream.strided.scatter [tilespmem:s3], [sflag:$0xA], $0x1000, s21, s19, $0x38;
	[tilespmem:$0x1CCE0] =	vst v63  }
0x135: {  	p0 =	seq.s32 s28, $0x9000;
	s12 =	sadd.s32 $0x1806, s1  }
0x136: {  	[hbm4b:s12+s19] =	stream.strided.scatter [tilespmem:s17], [sflag:$0xA], $0x1000, s21, s19, $0x38;
	[tilespmem:$0x1CCE0] =	vst v63  }
0x137: {  	s7 =	simm.s32 @!p0 $0x7;
	s14 =	sadd.s32 $0x180A, s1  }
0x138: {  	[hbm4b:s14+s4] =	stream.strided.scatter [tilespmem:s23], [sflag:$0xA], $0x1800, s21, s4, $0x38;
	[tilespmem:$0x1CCE0] =	vst v63  }
0x139: {  	_ =	swait.ge @!p0 [sflag:s7], $0x800  }
0x13a: {  	[sflag:s7] =	ssyncset.done @!p0 $0x0  }
0x13b: {  	[sflag:s7] =	ssyncadd.s32 @!p0 $0xFFFFF800  }
0x13c: {  	_ =	swait.ge @!p0 [sflag:s7], $0x1000  }
0x13d: {  	[sflag:s7] =	ssyncset.done @!p0 $0x0  }
0x13e: {  	[sflag:s7] =	ssyncadd.s32 @!p0 $0xFFFFF000  }
0x13f: {  	_ =	swait.ge @!p0 [sflag:s7], $0x1000  }
0x140: {  	[sflag:s7] =	ssyncset.done @!p0 $0x0  }
0x141: {  	[sflag:s7] =	ssyncadd.s32 @!p0 $0xFFFFF000  }
0x142: {  	_ =	swait.ge @!p0 [sflag:s7], $0x1800  }
0x143: {  	s15 =	simm.s32 @!p0 $0x30E0;
	[sflag:s7] =	ssyncset.done @!p0 $0x0  }
0x144: {  	s14 =	simm.s32 @!p0 $0x80;
	[sflag:s7] =	ssyncadd.s32 @!p0 $0xFFFFE800;
	s7 =	sadd.s32 @!p0 $0xFFFFDA58, s30  }
0x145: {  	[tilespmem:s15], [sflag:$0x1] =	stream.indirect.gather @!p0 [hbm4b:s2+s14], $0x10, s7, s14, $0xb8;
	[tilespmem:$0x1CCE0] =	vst v63  }
0x146: {  	s7 =	sadd.s32 @!p0 $0xFFFFE690, s30;
	s15 =	simm.s32 @!p0 $0x38E0  }
0x147: {  	[tilespmem:s15], [sflag:$0x1] =	stream.indirect.gather @!p0 [hbm4b:s13+s14], $0x20, s7, s14, $0xb8;
	[tilespmem:$0x1CCE0] =	vst v63  }
0x148: {  	s7 =	sadd.s32 @!p0 $0xFFFFF2C8, s30;
	s15 =	simm.s32 @!p0 $0x48E0  }
0x149: {  	[tilespmem:s15], [sflag:$0x1] =	stream.indirect.gather @!p0 [hbm4b:s5+s14], $0x20, s7, s14, $0xb8;
	[tilespmem:$0x1CCE0] =	vst v63  }
0x14a: {  	s7 =	sadd.s32 @!p0 $0xFFFFFF00, s30;
	s15 =	simm.s32 @!p0 $0x58E0  }
0x14b: {  	[tilespmem:s15], [sflag:$0x1] =	stream.indirect.gather @!p0 [hbm4b:s6+s14], $0x30, s7, s14, $0xb8;
	[tilespmem:$0x1CCE0] =	vst v63  }
0x14c: {  	_ =	swait.ge [sflag:s31], $0x800  }
0x14d: {  	[sflag:s31] =	ssyncset.done $0x0  }
0x14e: {  	[sflag:s31] =	ssyncadd.s32 $0xFFFFF800  }
0x14f: {  	_ =	swait.ge [sflag:s31], $0x1000  }
0x150: {  	[sflag:s31] =	ssyncset.done $0x0  }
0x151: {  	[sflag:s31] =	ssyncadd.s32 $0xFFFFF000  }
0x152: {  	_ =	swait.ge [sflag:s31], $0x1000  }
0x153: {  	[sflag:s31] =	ssyncset.done $0x0  }
0x154: {  	[sflag:s31] =	ssyncadd.s32 $0xFFFFF000  }
0x155: {  	_ =	swait.ge [sflag:s31], $0x1800  }
0x156: {  	[sflag:s31] =	ssyncset.done $0x0  }
0x157: {  	s15 =	sadd.s32 $0x2000, s1;
	[sflag:s31] =	ssyncadd.s32 $0xFFFFE800  }
0x158: {  	[hbm4b:s15+s20] =	stream.strided.scatter [tilespmem:s24], [sflag:$0xB], $0x800, s21, s20, $0x38;
	[tilespmem:$0x1CCE0] =	vst v63  }
0x159: {  	s17 =	sadd.s32 $0x2002, s1  }
0x15a: {  	[hbm4b:s17+s19] =	stream.strided.scatter [tilespmem:s25], [sflag:$0xB], $0x1000, s21, s19, $0x38;
	[tilespmem:$0x1CCE0] =	vst v63  }
0x15b: {  	s3 =	sadd.s32 $0x2006, s1  }
0x15c: {  	[hbm4b:s3+s19] =	stream.strided.scatter [tilespmem:s26], [sflag:$0xB], $0x1000, s21, s19, $0x38;
	[tilespmem:$0x1CCE0] =	vst v63  }
0x15d: {  	s7 =	simm.s32 @!p0 $0x8;
	s15 =	sadd.s32 $0x200A, s1;
	s17 =	simm.s32 $0x158E0  }
0x15e: {  	[hbm4b:s15+s4] =	stream.strided.scatter [tilespmem:s17], [sflag:$0xB], $0x1800, s21, s4, $0x38;
	[tilespmem:$0x1CCE0] =	vst v63  }
0x15f: {  	_ =	swait.ge @!p0 [sflag:s7], $0x800  }
0x160: {  	[sflag:s7] =	ssyncset.done @!p0 $0x0  }
0x161: {  	[sflag:s7] =	ssyncadd.s32 @!p0 $0xFFFFF800  }
0x162: {  	_ =	swait.ge @!p0 [sflag:s7], $0x1000  }
0x163: {  	[sflag:s7] =	ssyncset.done @!p0 $0x0  }
0x164: {  	[sflag:s7] =	ssyncadd.s32 @!p0 $0xFFFFF000  }
0x165: {  	_ =	swait.ge @!p0 [sflag:s7], $0x1000  }
0x166: {  	[sflag:s7] =	ssyncset.done @!p0 $0x0  }
0x167: {  	[sflag:s7] =	ssyncadd.s32 @!p0 $0xFFFFF000  }
0x168: {  	_ =	swait.ge @!p0 [sflag:s7], $0x1800  }
0x169: {  	[sflag:s7] =	ssyncset.done @!p0 $0x0  }
0x16a: {  	s15 =	simm.s32 @!p0 $0x70E0;
	[sflag:s7] =	ssyncadd.s32 @!p0 $0xFFFFE800;
	s7 =	sadd.s32 @!p0 $0xFFFFDAD8, s30  }
0x16b: {  	[tilespmem:s15], [sflag:$0x2] =	stream.indirect.gather @!p0 [hbm4b:s2+s14], $0x10, s7, s14, $0xb8;
	[tilespmem:$0x1CCE0] =	vst v63  }
0x16c: {  	s7 =	sadd.s32 @!p0 $0xFFFFE710, s30;
	s15 =	simm.s32 @!p0 $0x78E0  }
0x16d: {  	[tilespmem:s15], [sflag:$0x2] =	stream.indirect.gather @!p0 [hbm4b:s13+s14], $0x20, s7, s14, $0xb8;
	[tilespmem:$0x1CCE0] =	vst v63  }
0x16e: {  	s7 =	sadd.s32 @!p0 $0xFFFFF348, s30;
	s15 =	simm.s32 @!p0 $0x88E0  }
0x16f: {  	[tilespmem:s15], [sflag:$0x2] =	stream.indirect.gather @!p0 [hbm4b:s5+s14], $0x20, s7, s14, $0xb8;
	[tilespmem:$0x1CCE0] =	vst v63  }
0x170: {  	s7 =	sadd.s32 @!p0 $0xFFFFFF80, s30;
	s15 =	simm.s32 @!p0 $0x98E0  }
0x171: {  	[tilespmem:s15], [sflag:$0x2] =	stream.indirect.gather @!p0 [hbm4b:s6+s14], $0x30, s7, s14, $0xb8;
	[tilespmem:$0x1CCE0] =	vst v63  }
0x172: {  	_ =	swait.ge [sflag:s0], $0x800  }
0x173: {  	[sflag:s0] =	ssyncset.done $0x0  }
0x174: {  	[sflag:s0] =	ssyncadd.s32 $0xFFFFF800  }
0x175: {  	_ =	swait.ge [sflag:s0], $0x1000  }
0x176: {  	[sflag:s0] =	ssyncset.done $0x0  }
0x177: {  	[sflag:s0] =	ssyncadd.s32 $0xFFFFF000  }
0x178: {  	_ =	swait.ge [sflag:s0], $0x1000  }
0x179: {  	[sflag:s0] =	ssyncset.done $0x0  }
0x17a: {  	[sflag:s0] =	ssyncadd.s32 $0xFFFFF000  }
0x17b: {  	_ =	swait.ge [sflag:s0], $0x1800  }
0x17c: {  	s8 =	simm.s32 $0xD8E0;
	[sflag:s0] =	ssyncset.done $0x0  }
0x17d: {  	s17 =	simm.s32 $0x170E0;
	s15 =	sadd.s32 $0x2800, s1;
	[sflag:s0] =	ssyncadd.s32 $0xFFFFE800  }
0x17e: {  	[hbm4b:s15+s20] =	stream.strided.scatter [tilespmem:s17], [sflag:$0xC], $0x800, s21, s20, $0x38;
	[tilespmem:$0x1CCE0] =	vst v63  }
0x17f: {  	s9 =	simm.s32 $0xB0E0;
	s15 =	sadd.s32 $0x2802, s1;
	s17 =	simm.s32 $0x178E0  }
0x180: {  	[hbm4b:s15+s19] =	stream.strided.scatter [tilespmem:s17], [sflag:$0xC], $0x1000, s21, s19, $0x38;
	[tilespmem:$0x1CCE0] =	vst v63  }
.Ltmp2:
0x181: {  	s10 =	simm.s32 $0xB8E0;
	s12 =	simm.s32 $0xC8E0;
	(pc) =	sbr.rel @p0 .LBB2_4-.Ltmp2, $4  }
0x182: {  	s3 =	simm.s32 $0x10;
	s14 =	sadd.s32 $0x2806, s1;
	s15 =	simm.s32 $0x188E0  }
0x183: {  	[hbm4b:s14+s19] =	stream.strided.scatter [tilespmem:s15], [sflag:$0xC], $0x1000, s21, s19, $0x38;
	[tilespmem:$0x1CCE0] =	vst v63  }
0x184: {  	s1 =	sadd.s32 $0x280A, s1;
	s17 =	simm.s32 $0x198E0;
	s15 =	simm.s32 $0x30  }
0x185: {  	[hbm4b:s1+s4] =	stream.strided.scatter [tilespmem:s17], [sflag:$0xC], $0x1800, s21, s4, $0x38;
	[tilespmem:$0x1CCE0] =	vst v63  }
0x186: {  	_ =	swait.ge [sflag:s16], $0x800  }
0x187: {  	[sflag:s16] =	ssyncset.done $0x0  }
0x188: {  	[sflag:s16] =	ssyncadd.s32 $0xFFFFF800  }
0x189: {  	_ =	swait.ge [sflag:s16], $0x1000  }
0x18a: {  	[sflag:s16] =	ssyncset.done $0x0  }
0x18b: {  	[sflag:s16] =	ssyncadd.s32 $0xFFFFF000  }
0x18c: {  	_ =	swait.ge [sflag:s16], $0x1000  }
0x18d: {  	[sflag:s16] =	ssyncset.done $0x0  }
0x18e: {  	[sflag:s16] =	ssyncadd.s32 $0xFFFFF000  }
0x18f: {  	_ =	swait.ge [sflag:s16], $0x1800  }
0x190: {  	[sflag:s16] =	ssyncset.done $0x0  }
0x191: {  	s1 =	sadd.s32 $0xFFFFDB58, s30;
	[sflag:s16] =	ssyncadd.s32 $0xFFFFE800  }
0x192: {  	[tilespmem:s9], [sflag:$0x3] =	stream.indirect.gather [hbm4b:s2+s21], $0x10, s1, s21, $0xb8;
	[tilespmem:$0x1CCE0] =	vst v63  }
0x193: {  	s15 =	sadd.s32 $0xFFFFE790, s30  }
0x194: {  	[tilespmem:s10], [sflag:$0x3] =	stream.indirect.gather [hbm4b:s13+s21], $0x20, s15, s21, $0xb8;
	[tilespmem:$0x1CCE0] =	vst v63  }
.Ltmp3:
0x195: {  	s17 =	sadd.s32 $0xFFFFF3C8, s30;
	(pc) =	sbr.rel .LBB2_2-.Ltmp3, $4  }
0x196: {  	[tilespmem:s12], [sflag:$0x3] =	stream.indirect.gather [hbm4b:s5+s21], $0x20, s17, s21, $0xb8;
	[tilespmem:$0x1CCE0] =	vst v63  }
0x197: {  	s28 =	sadd.s32 $0x3000, s28;
	s9 =	simm.s32 $0xB8E0;
	s15 =	simm.s32 $0xB0E0  }
0x198: {  	[tilespmem:s8], [sflag:$0x3] =	stream.indirect.gather [hbm4b:s6+s21], $0x30, s30, s21, $0xb8;
	[tilespmem:$0x1CCE0] =	vst v63  }
0x199: {  	s10 =	simm.s32 $0xC8E0;
	s12 =	simm.s32 $0xD8E0;
	s30 =	sadd.s32 $0x300, s30  }
.LBB2_5:
0x19a: {  	_ =	sfence.sel $0x180000  }
0x19b: {  	[bflag:$0x0] =	sbarrier.arrive $0xFFFF  }
0x19c: {  	_ =	strace $0x90000047  }
0x19d: {  	s0 =	stileid.u32;
	[bflag:$0x2] =	sbarrier.arrive $0xFFFF  }
0x19e: {  	p0 =	sne.s32 s0, $0x0;
	s0 =	rddreg [dreg:$0x2]  }
0x19f: {  	s0 =	sadd.s32 @!p0 $0x100000, s0  }
0x1a0: {  	[sflag:s0] =	ssyncadd.tile.s32 @!p0 $0x1;
	_ =	shalt  }
.Lfunc_end2:
_tile_overlayer_lowered:
.L_overlay_start_2:
0x1a1: {  	(tag) =	ssettag $0x2  }
0x1a2: {  	s0 =	rddreg [dreg:$0x0];
	s2 =	stileid.u32  }
0x1a3: {  	s1 =	rddreg [dreg:$0x1];
	p0 =	sne.s32 s2, $0x0  }
0x1a4: {  	s3 =	rddreg [dreg:$0x2];
	[bflag:$0x3] =	sbarrier.arrive $0xFFFF;
	s2 =	simm.s32 @!p0 $0x1C0E  }
0x1a5: {  	[timem:s3], [sflag:s2] =	dma.local @!p0 [hbm:s0], s1  }
0x1a6: {  	s0 =	simm.s32 @!p0 $0xE  }
0x1a7: {  	_ =	swait.ge @!p0 [sflag:s0], s1  }
0x1a8: {  	s1 =	ssub.s32 @!p0 $0x0, s1;
	[sflag:s0] =	ssyncset.done @!p0 $0x0  }
0x1a9: {  	[sflag:s0] =	ssyncadd.s32 @!p0 s1  }
0x1aa: {  	[bflag:$0x3] =	sbarrier.arrive $0xFFFF  }
0x1ab: {  	_ =	shalt  }

</sc_bundles>
